<compile_context>
chip_gen: v7x
topology: tpu7x:2x2x1
jax: 0.10.2.dev20260603
libtpu: 0.0.44.dev20260713+nightly
codegen_flags: <defaults>
</compile_context>

<pallas_src>
import jax
import jax.numpy as jnp
from jax import lax
from jax.experimental import pallas as pl
from jax.experimental.pallas import tpu as pltpu, tpu_sc as plsc

_B = 16
_N = 65536
_NI = 16384
_P = 3
_UNROLL = 16


def _gather_all(idx_v, plane_v, dst):
    def chunk_body(k, carry):
        vals = []
        for u in range(_UNROLL):
            o = (k * _UNROLL + u) * 16
            v = idx_v[pl.ds(o, 16)]
            vals.append(plsc.load_gather(plane_v, [v]))
        for u in range(_UNROLL):
            o = (k * _UNROLL + u) * 16
            dst[pl.ds(o, 16)] = vals[u]
        return carry

    lax.fori_loop(0, _NI // (16 * _UNROLL), chunk_body, 0)


def _gather_body(t_t_hbm, t_idx_hbm, out_hbm, plane_v, idx_v, outv0, outv1,
                 si, sp, so):
    wid = lax.axis_index("s") * 2 + lax.axis_index("c")
    is_a = wid < _B
    b = jnp.where(is_a, wid, wid - _B)
    c0 = jnp.where(is_a, 0, 2)

    hidx = pltpu.async_copy(t_idx_hbm.at[b], idx_v, si)
    hplane = pltpu.async_copy(t_t_hbm.at[c0, b], plane_v, sp)
    hidx.wait()
    hplane.wait()
    _gather_all(idx_v, plane_v, outv0)
    o0 = pltpu.async_copy(outv0, out_hbm.at[c0, b], so)

    @pl.when(is_a)
    def _():
        pltpu.sync_copy(t_t_hbm.at[1, b], plane_v)
        _gather_all(idx_v, plane_v, outv1)
        pltpu.sync_copy(outv1, out_hbm.at[1, b])

    o0.wait()


def kernel(t_in, t_idx):
    b, n, p = t_in.shape
    nidx = t_idx.shape[1]
    t_t = jnp.transpose(t_in, (2, 0, 1))
    idx = t_idx.astype(jnp.int32)
    mesh = plsc.VectorSubcoreMesh(core_axis_name="c", subcore_axis_name="s")
    out = pl.kernel(
        _gather_body,
        out_type=jax.ShapeDtypeStruct((p, b, nidx), jnp.float32),
        mesh=mesh,
        compiler_params=pltpu.CompilerParams(
            use_tc_tiling_on_sc=True, needs_layout_passes=False
        ),
        scratch_types=[
            pltpu.VMEM((_N,), jnp.float32),
            pltpu.VMEM((_NI,), jnp.int32),
            pltpu.VMEM((_NI,), jnp.float32),
            pltpu.VMEM((_NI,), jnp.float32),
            pltpu.SemaphoreType.DMA,
            pltpu.SemaphoreType.DMA,
            pltpu.SemaphoreType.DMA,
        ],
    )(t_t, idx)
    return jnp.transpose(out, (1, 2, 0))

# --- scband reference (transcript-rebuilt; emitter-appended) ---
"""Pipeline reference for scband-gather-module-16561393893901 (READ-ONLY COPY).

The authoritative reference and input builder live on the scoring server;
editing this copy changes nothing except your own understanding.
"""

import jax, jax.numpy as jnp
import numpy as np

def setup_inputs(seed: int = 0) -> dict:
    key = jax.random.key(seed)
    k1, k2 = jax.random.split(key)
    t_in = jax.random.normal(k1, (16, 65536, 3), dtype=jnp.float32)
    t_idx = jax.random.randint(k2, (16, 16384), 0, 65536, dtype=jnp.int64)
    return {"t_in": t_in, "t_idx": t_idx}

def reference(t_in, t_idx):
    # gather_points: out[b, i, :] = t_in[b, t_idx[b, i], :]
    b, n, p = t_in.shape
    if p != 3:
        raise Exception('GatherPoint expects (batch_size, num_points, 3) inp shape')
    out = jnp.take_along_axis(t_in, t_idx[:, :, None], axis=1)
    return out

if __name__ == "__main__":
    import jax
    _d = setup_inputs()
    print(jax.jit(kernel)(*tuple(_d.values())))

</pallas_src>

<mosaic_0001>
#map = affine_map<(d0, d1) -> (0, 0, 0)>
#map1 = affine_map<(d0, d1) -> (0, 0)>
module attributes {stable_mosaic.version = 14 : i64} {
  func.func @_gather_body(%arg0: i32, %arg1: i32, %arg2: memref<3x16x65536xf32, #tpu.memory_space<hbm>>, %arg3: memref<16x16384xi32, #tpu.memory_space<hbm>>, %arg4: memref<3x16x16384xf32, #tpu.memory_space<hbm>>, %arg5: memref<65536xf32, #tpu.memory_space<vmem>>, %arg6: memref<16384xi32, #tpu.memory_space<vmem>>, %arg7: memref<16384xf32, #tpu.memory_space<vmem>>, %arg8: memref<16384xf32, #tpu.memory_space<vmem>>, %arg9: memref<!tpu.dma_semaphore, #tpu.memory_space<semaphore_mem>>, %arg10: memref<!tpu.dma_semaphore, #tpu.memory_space<semaphore_mem>>, %arg11: memref<!tpu.dma_semaphore, #tpu.memory_space<semaphore_mem>>) attributes {dimension_semantics = [#tpu.dimension_semantics<core_parallel>, #tpu.dimension_semantics<subcore_parallel>], iteration_bounds = array<i64: 2, 16>, scalar_prefetch = 0 : i64, scratch_operands = 7 : i64, tpu.core_type = #tpu.core_type<sc_vector_subcore>, window_params = [{transform_indices = #map}, {transform_indices = #map1}, {transform_indices = #map}]} {
    %mul3A = arith.constant 2 : i32
    %mul3A_0 = arith.muli %arg1, %mul3A : i32
    %add3A = arith.addi %mul3A_0, %arg0 : i32
    %lt3A = arith.constant 16 : i32
    %lt3A_1 = arith.cmpi slt, %add3A, %lt3A : i32
    %sub3A = arith.constant 16 : i32
    %sub3A_2 = arith.subi %add3A, %sub3A : i32
    %select_n3A = arith.select %lt3A_1, %add3A, %sub3A_2 : i32
    %jit3A = arith.constant 0 : i32
    %jit3A_3 = arith.constant 2 : i32
    %select_n3A_4 = arith.select %lt3A_1, %jit3A, %jit3A_3 : i32
    %dma_start3A = arith.constant 0 : i32
    %dma_start3A_5 = tpu.memref_slice %arg3[%select_n3A, %dma_start3A] : memref<16x16384xi32, #tpu.memory_space<hbm>> -> memref<1x16384xi32, #tpu.memory_space<hbm>>
    %dma_start3A_6 = tpu.memref_squeeze %dma_start3A_5 : memref<1x16384xi32, #tpu.memory_space<hbm>> -> memref<16384xi32, #tpu.memory_space<hbm>>
    %dma_start3A_7 = arith.constant 0 : i32
    %dma_start3A_8 = tpu.memref_slice %arg3[%select_n3A, %dma_start3A_7] : memref<16x16384xi32, #tpu.memory_space<hbm>> -> memref<1x16384xi32, #tpu.memory_space<hbm>>
    %dma_start3A_9 = tpu.memref_squeeze %dma_start3A_8 : memref<1x16384xi32, #tpu.memory_space<hbm>> -> memref<16384xi32, #tpu.memory_space<hbm>>
    tpu.enqueue_dma source(%dma_start3A_9 : memref<16384xi32, #tpu.memory_space<hbm>>) target(%arg6 : memref<16384xi32, #tpu.memory_space<vmem>>) target_semaphore(%arg9 : memref<!tpu.dma_semaphore, #tpu.memory_space<semaphore_mem>>)
    %dma_start3A_10 = arith.constant 0 : i32
    %dma_start3A_11 = tpu.memref_slice %arg2[%select_n3A_4, %select_n3A, %dma_start3A_10] : memref<3x16x65536xf32, #tpu.memory_space<hbm>> -> memref<1x1x65536xf32, #tpu.memory_space<hbm>>
    %dma_start3A_12 = tpu.memref_squeeze %dma_start3A_11 : memref<1x1x65536xf32, #tpu.memory_space<hbm>> -> memref<65536xf32, #tpu.memory_space<hbm>>
    %dma_start3A_13 = arith.constant 0 : i32
    %dma_start3A_14 = tpu.memref_slice %arg2[%select_n3A_4, %select_n3A, %dma_start3A_13] : memref<3x16x65536xf32, #tpu.memory_space<hbm>> -> memref<1x1x65536xf32, #tpu.memory_space<hbm>>
    %dma_start3A_15 = tpu.memref_squeeze %dma_start3A_14 : memref<1x1x65536xf32, #tpu.memory_space<hbm>> -> memref<65536xf32, #tpu.memory_space<hbm>>
    tpu.enqueue_dma source(%dma_start3A_15 : memref<65536xf32, #tpu.memory_space<hbm>>) target(%arg5 : memref<65536xf32, #tpu.memory_space<vmem>>) target_semaphore(%arg10 : memref<!tpu.dma_semaphore, #tpu.memory_space<semaphore_mem>>)
    %dma_wait3A = arith.constant 0 : i32
    %dma_wait3A_16 = tpu.memref_slice %arg3[%select_n3A, %dma_wait3A] : memref<16x16384xi32, #tpu.memory_space<hbm>> -> memref<1x16384xi32, #tpu.memory_space<hbm>>
    %dma_wait3A_17 = tpu.memref_squeeze %dma_wait3A_16 : memref<1x16384xi32, #tpu.memory_space<hbm>> -> memref<16384xi32, #tpu.memory_space<hbm>>
    %dma_wait3A_18 = arith.constant 0 : i32
    %dma_wait3A_19 = tpu.memref_slice %arg3[%select_n3A, %dma_wait3A_18] : memref<16x16384xi32, #tpu.memory_space<hbm>> -> memref<1x16384xi32, #tpu.memory_space<hbm>>
    %dma_wait3A_20 = tpu.memref_squeeze %dma_wait3A_19 : memref<1x16384xi32, #tpu.memory_space<hbm>> -> memref<16384xi32, #tpu.memory_space<hbm>>
    tpu.wait_dma2 semaphore(%arg9 : memref<!tpu.dma_semaphore, #tpu.memory_space<semaphore_mem>>) src(%dma_wait3A_20 : memref<16384xi32, #tpu.memory_space<hbm>>) dst(%arg6 : memref<16384xi32, #tpu.memory_space<vmem>>)
    %dma_wait3A_21 = arith.constant 0 : i32
    %dma_wait3A_22 = tpu.memref_slice %arg2[%select_n3A_4, %select_n3A, %dma_wait3A_21] : memref<3x16x65536xf32, #tpu.memory_space<hbm>> -> memref<1x1x65536xf32, #tpu.memory_space<hbm>>
    %dma_wait3A_23 = tpu.memref_squeeze %dma_wait3A_22 : memref<1x1x65536xf32, #tpu.memory_space<hbm>> -> memref<65536xf32, #tpu.memory_space<hbm>>
    %dma_wait3A_24 = arith.constant 0 : i32
    %dma_wait3A_25 = tpu.memref_slice %arg2[%select_n3A_4, %select_n3A, %dma_wait3A_24] : memref<3x16x65536xf32, #tpu.memory_space<hbm>> -> memref<1x1x65536xf32, #tpu.memory_space<hbm>>
    %dma_wait3A_26 = tpu.memref_squeeze %dma_wait3A_25 : memref<1x1x65536xf32, #tpu.memory_space<hbm>> -> memref<65536xf32, #tpu.memory_space<hbm>>
    tpu.wait_dma2 semaphore(%arg10 : memref<!tpu.dma_semaphore, #tpu.memory_space<semaphore_mem>>) src(%dma_wait3A_26 : memref<65536xf32, #tpu.memory_space<hbm>>) dst(%arg5 : memref<65536xf32, #tpu.memory_space<vmem>>)
    %scan3A = arith.constant 0 : i32
    %scan3A_27 = arith.constant 0 : i32
    %scan3A_28 = arith.constant 64 : i32
    %scan3A_29 = arith.addi %scan3A_27, %scan3A_28 : i32
    %scan3A_30 = arith.constant 1 : i32
    scf.for %scan3A_45 = %scan3A_27 to %scan3A_29 step %scan3A_30  : i32 {
      %mul3A_46 = arith.constant 16 : i32
      %mul3A_47 = arith.muli %scan3A_45, %mul3A_46 : i32
      %add3A_48 = arith.constant 0 : i32
      %add3A_49 = arith.addi %mul3A_47, %add3A_48 : i32
      %mul3A_50 = arith.constant 16 : i32
      %mul3A_51 = arith.muli %add3A_49, %mul3A_50 : i32
      %get3A = arith.index_cast %mul3A_51 : i32 to index
      %get3A_52 = tpu.vector_load %arg6[%get3A] {strides = array<i32>} : memref<16384xi32, #tpu.memory_space<vmem>>, vector<16xi32>,
      %gather3A = tpu.vector_load_idx %arg5[%get3A_52] : memref<65536xf32, #tpu.memory_space<vmem>>[vector<16xi32>], vector<16xf32>,
      %mul3A_53 = arith.constant 16 : i32
      %mul3A_54 = arith.muli %scan3A_45, %mul3A_53 : i32
      %add3A_55 = arith.constant 1 : i32
      %add3A_56 = arith.addi %mul3A_54, %add3A_55 : i32
      %mul3A_57 = arith.constant 16 : i32
      %mul3A_58 = arith.muli %add3A_56, %mul3A_57 : i32
      %get3A_59 = arith.index_cast %mul3A_58 : i32 to index
      %get3A_60 = tpu.vector_load %arg6[%get3A_59] {strides = array<i32>} : memref<16384xi32, #tpu.memory_space<vmem>>, vector<16xi32>,
      %gather3A_61 = tpu.vector_load_idx %arg5[%get3A_60] : memref<65536xf32, #tpu.memory_space<vmem>>[vector<16xi32>], vector<16xf32>,
      %mul3A_62 = arith.constant 16 : i32
      %mul3A_63 = arith.muli %scan3A_45, %mul3A_62 : i32
      %add3A_64 = arith.constant 2 : i32
      %add3A_65 = arith.addi %mul3A_63, %add3A_64 : i32
      %mul3A_66 = arith.constant 16 : i32
      %mul3A_67 = arith.muli %add3A_65, %mul3A_66 : i32
      %get3A_68 = arith.index_cast %mul3A_67 : i32 to index
      %get3A_69 = tpu.vector_load %arg6[%get3A_68] {strides = array<i32>} : memref<16384xi32, #tpu.memory_space<vmem>>, vector<16xi32>,
      %gather3A_70 = tpu.vector_load_idx %arg5[%get3A_69] : memref<65536xf32, #tpu.memory_space<vmem>>[vector<16xi32>], vector<16xf32>,
      %mul3A_71 = arith.constant 16 : i32
      %mul3A_72 = arith.muli %scan3A_45, %mul3A_71 : i32
      %add3A_73 = arith.constant 3 : i32
      %add3A_74 = arith.addi %mul3A_72, %add3A_73 : i32
      %mul3A_75 = arith.constant 16 : i32
      %mul3A_76 = arith.muli %add3A_74, %mul3A_75 : i32
      %get3A_77 = arith.index_cast %mul3A_76 : i32 to index
      %get3A_78 = tpu.vector_load %arg6[%get3A_77] {strides = array<i32>} : memref<16384xi32, #tpu.memory_space<vmem>>, vector<16xi32>,
      %gather3A_79 = tpu.vector_load_idx %arg5[%get3A_78] : memref<65536xf32, #tpu.memory_space<vmem>>[vector<16xi32>], vector<16xf32>,
      %mul3A_80 = arith.constant 16 : i32
      %mul3A_81 = arith.muli %scan3A_45, %mul3A_80 : i32
      %add3A_82 = arith.constant 4 : i32
      %add3A_83 = arith.addi %mul3A_81, %add3A_82 : i32
      %mul3A_84 = arith.constant 16 : i32
      %mul3A_85 = arith.muli %add3A_83, %mul3A_84 : i32
      %get3A_86 = arith.index_cast %mul3A_85 : i32 to index
      %get3A_87 = tpu.vector_load %arg6[%get3A_86] {strides = array<i32>} : memref<16384xi32, #tpu.memory_space<vmem>>, vector<16xi32>,
      %gather3A_88 = tpu.vector_load_idx %arg5[%get3A_87] : memref<65536xf32, #tpu.memory_space<vmem>>[vector<16xi32>], vector<16xf32>,
      %mul3A_89 = arith.constant 16 : i32
      %mul3A_90 = arith.muli %scan3A_45, %mul3A_89 : i32
      %add3A_91 = arith.constant 5 : i32
      %add3A_92 = arith.addi %mul3A_90, %add3A_91 : i32
      %mul3A_93 = arith.constant 16 : i32
      %mul3A_94 = arith.muli %add3A_92, %mul3A_93 : i32
      %get3A_95 = arith.index_cast %mul3A_94 : i32 to index
      %get3A_96 = tpu.vector_load %arg6[%get3A_95] {strides = array<i32>} : memref<16384xi32, #tpu.memory_space<vmem>>, vector<16xi32>,
      %gather3A_97 = tpu.vector_load_idx %arg5[%get3A_96] : memref<65536xf32, #tpu.memory_space<vmem>>[vector<16xi32>], vector<16xf32>,
      %mul3A_98 = arith.constant 16 : i32
      %mul3A_99 = arith.muli %scan3A_45, %mul3A_98 : i32
      %add3A_100 = arith.constant 6 : i32
      %add3A_101 = arith.addi %mul3A_99, %add3A_100 : i32
      %mul3A_102 = arith.constant 16 : i32
      %mul3A_103 = arith.muli %add3A_101, %mul3A_102 : i32
      %get3A_104 = arith.index_cast %mul3A_103 : i32 to index
      %get3A_105 = tpu.vector_load %arg6[%get3A_104] {strides = array<i32>} : memref<16384xi32, #tpu.memory_space<vmem>>, vector<16xi32>,
      %gather3A_106 = tpu.vector_load_idx %arg5[%get3A_105] : memref<65536xf32, #tpu.memory_space<vmem>>[vector<16xi32>], vector<16xf32>,
      %mul3A_107 = arith.constant 16 : i32
      %mul3A_108 = arith.muli %scan3A_45, %mul3A_107 : i32
      %add3A_109 = arith.constant 7 : i32
      %add3A_110 = arith.addi %mul3A_108, %add3A_109 : i32
      %mul3A_111 = arith.constant 16 : i32
      %mul3A_112 = arith.muli %add3A_110, %mul3A_111 : i32
      %get3A_113 = arith.index_cast %mul3A_112 : i32 to index
      %get3A_114 = tpu.vector_load %arg6[%get3A_113] {strides = array<i32>} : memref<16384xi32, #tpu.memory_space<vmem>>, vector<16xi32>,
      %gather3A_115 = tpu.vector_load_idx %arg5[%get3A_114] : memref<65536xf32, #tpu.memory_space<vmem>>[vector<16xi32>], vector<16xf32>,
      %mul3A_116 = arith.constant 16 : i32
      %mul3A_117 = arith.muli %scan3A_45, %mul3A_116 : i32
      %add3A_118 = arith.constant 8 : i32
      %add3A_119 = arith.addi %mul3A_117, %add3A_118 : i32
      %mul3A_120 = arith.constant 16 : i32
      %mul3A_121 = arith.muli %add3A_119, %mul3A_120 : i32
      %get3A_122 = arith.index_cast %mul3A_121 : i32 to index
      %get3A_123 = tpu.vector_load %arg6[%get3A_122] {strides = array<i32>} : memref<16384xi32, #tpu.memory_space<vmem>>, vector<16xi32>,
      %gather3A_124 = tpu.vector_load_idx %arg5[%get3A_123] : memref<65536xf32, #tpu.memory_space<vmem>>[vector<16xi32>], vector<16xf32>,
      %mul3A_125 = arith.constant 16 : i32
      %mul3A_126 = arith.muli %scan3A_45, %mul3A_125 : i32
      %add3A_127 = arith.constant 9 : i32
      %add3A_128 = arith.addi %mul3A_126, %add3A_127 : i32
      %mul3A_129 = arith.constant 16 : i32
      %mul3A_130 = arith.muli %add3A_128, %mul3A_129 : i32
      %get3A_131 = arith.index_cast %mul3A_130 : i32 to index
      %get3A_132 = tpu.vector_load %arg6[%get3A_131] {strides = array<i32>} : memref<16384xi32, #tpu.memory_space<vmem>>, vector<16xi32>,
      %gather3A_133 = tpu.vector_load_idx %arg5[%get3A_132] : memref<65536xf32, #tpu.memory_space<vmem>>[vector<16xi32>], vector<16xf32>,
      %mul3A_134 = arith.constant 16 : i32
      %mul3A_135 = arith.muli %scan3A_45, %mul3A_134 : i32
      %add3A_136 = arith.constant 10 : i32
      %add3A_137 = arith.addi %mul3A_135, %add3A_136 : i32
      %mul3A_138 = arith.constant 16 : i32
      %mul3A_139 = arith.muli %add3A_137, %mul3A_138 : i32
      %get3A_140 = arith.index_cast %mul3A_139 : i32 to index
      %get3A_141 = tpu.vector_load %arg6[%get3A_140] {strides = array<i32>} : memref<16384xi32, #tpu.memory_space<vmem>>, vector<16xi32>,
      %gather3A_142 = tpu.vector_load_idx %arg5[%get3A_141] : memref<65536xf32, #tpu.memory_space<vmem>>[vector<16xi32>], vector<16xf32>,
      %mul3A_143 = arith.constant 16 : i32
      %mul3A_144 = arith.muli %scan3A_45, %mul3A_143 : i32
      %add3A_145 = arith.constant 11 : i32
      %add3A_146 = arith.addi %mul3A_144, %add3A_145 : i32
      %mul3A_147 = arith.constant 16 : i32
      %mul3A_148 = arith.muli %add3A_146, %mul3A_147 : i32
      %get3A_149 = arith.index_cast %mul3A_148 : i32 to index
      %get3A_150 = tpu.vector_load %arg6[%get3A_149] {strides = array<i32>} : memref<16384xi32, #tpu.memory_space<vmem>>, vector<16xi32>,
      %gather3A_151 = tpu.vector_load_idx %arg5[%get3A_150] : memref<65536xf32, #tpu.memory_space<vmem>>[vector<16xi32>], vector<16xf32>,
      %mul3A_152 = arith.constant 16 : i32
      %mul3A_153 = arith.muli %scan3A_45, %mul3A_152 : i32
      %add3A_154 = arith.constant 12 : i32
      %add3A_155 = arith.addi %mul3A_153, %add3A_154 : i32
      %mul3A_156 = arith.constant 16 : i32
      %mul3A_157 = arith.muli %add3A_155, %mul3A_156 : i32
      %get3A_158 = arith.index_cast %mul3A_157 : i32 to index
      %get3A_159 = tpu.vector_load %arg6[%get3A_158] {strides = array<i32>} : memref<16384xi32, #tpu.memory_space<vmem>>, vector<16xi32>,
      %gather3A_160 = tpu.vector_load_idx %arg5[%get3A_159] : memref<65536xf32, #tpu.memory_space<vmem>>[vector<16xi32>], vector<16xf32>,
      %mul3A_161 = arith.constant 16 : i32
      %mul3A_162 = arith.muli %scan3A_45, %mul3A_161 : i32
      %add3A_163 = arith.constant 13 : i32
      %add3A_164 = arith.addi %mul3A_162, %add3A_163 : i32
      %mul3A_165 = arith.constant 16 : i32
      %mul3A_166 = arith.muli %add3A_164, %mul3A_165 : i32
      %get3A_167 = arith.index_cast %mul3A_166 : i32 to index
      %get3A_168 = tpu.vector_load %arg6[%get3A_167] {strides = array<i32>} : memref<16384xi32, #tpu.memory_space<vmem>>, vector<16xi32>,
      %gather3A_169 = tpu.vector_load_idx %arg5[%get3A_168] : memref<65536xf32, #tpu.memory_space<vmem>>[vector<16xi32>], vector<16xf32>,
      %mul3A_170 = arith.constant 16 : i32
      %mul3A_171 = arith.muli %scan3A_45, %mul3A_170 : i32
      %add3A_172 = arith.constant 14 : i32
      %add3A_173 = arith.addi %mul3A_171, %add3A_172 : i32
      %mul3A_174 = arith.constant 16 : i32
      %mul3A_175 = arith.muli %add3A_173, %mul3A_174 : i32
      %get3A_176 = arith.index_cast %mul3A_175 : i32 to index
      %get3A_177 = tpu.vector_load %arg6[%get3A_176] {strides = array<i32>} : memref<16384xi32, #tpu.memory_space<vmem>>, vector<16xi32>,
      %gather3A_178 = tpu.vector_load_idx %arg5[%get3A_177] : memref<65536xf32, #tpu.memory_space<vmem>>[vector<16xi32>], vector<16xf32>,
      %mul3A_179 = arith.constant 16 : i32
      %mul3A_180 = arith.muli %scan3A_45, %mul3A_179 : i32
      %add3A_181 = arith.constant 15 : i32
      %add3A_182 = arith.addi %mul3A_180, %add3A_181 : i32
      %mul3A_183 = arith.constant 16 : i32
      %mul3A_184 = arith.muli %add3A_182, %mul3A_183 : i32
      %get3A_185 = arith.index_cast %mul3A_184 : i32 to index
      %get3A_186 = tpu.vector_load %arg6[%get3A_185] {strides = array<i32>} : memref<16384xi32, #tpu.memory_space<vmem>>, vector<16xi32>,
      %gather3A_187 = tpu.vector_load_idx %arg5[%get3A_186] : memref<65536xf32, #tpu.memory_space<vmem>>[vector<16xi32>], vector<16xf32>,
      %mul3A_188 = arith.constant 16 : i32
      %mul3A_189 = arith.muli %scan3A_45, %mul3A_188 : i32
      %add3A_190 = arith.constant 0 : i32
      %add3A_191 = arith.addi %mul3A_189, %add3A_190 : i32
      %mul3A_192 = arith.constant 16 : i32
      %mul3A_193 = arith.muli %add3A_191, %mul3A_192 : i32
      %swap3A = arith.index_cast %mul3A_193 : i32 to index
      %swap3A_194 = tpu.vector_load %arg7[%swap3A] {strides = array<i32>} : memref<16384xf32, #tpu.memory_space<vmem>>, vector<16xf32>,
      tpu.vector_store %arg7[%swap3A], %gather3A {strides = array<i32>} : memref<16384xf32, #tpu.memory_space<vmem>>, vector<16xf32>,
      %mul3A_195 = arith.constant 16 : i32
      %mul3A_196 = arith.muli %scan3A_45, %mul3A_195 : i32
      %add3A_197 = arith.constant 1 : i32
      %add3A_198 = arith.addi %mul3A_196, %add3A_197 : i32
      %mul3A_199 = arith.constant 16 : i32
      %mul3A_200 = arith.muli %add3A_198, %mul3A_199 : i32
      %swap3A_201 = arith.index_cast %mul3A_200 : i32 to index
      %swap3A_202 = tpu.vector_load %arg7[%swap3A_201] {strides = array<i32>} : memref<16384xf32, #tpu.memory_space<vmem>>, vector<16xf32>,
      tpu.vector_store %arg7[%swap3A_201], %gather3A_61 {strides = array<i32>} : memref<16384xf32, #tpu.memory_space<vmem>>, vector<16xf32>,
      %mul3A_203 = arith.constant 16 : i32
      %mul3A_204 = arith.muli %scan3A_45, %mul3A_203 : i32
      %add3A_205 = arith.constant 2 : i32
      %add3A_206 = arith.addi %mul3A_204, %add3A_205 : i32
      %mul3A_207 = arith.constant 16 : i32
      %mul3A_208 = arith.muli %add3A_206, %mul3A_207 : i32
      %swap3A_209 = arith.index_cast %mul3A_208 : i32 to index
      %swap3A_210 = tpu.vector_load %arg7[%swap3A_209] {strides = array<i32>} : memref<16384xf32, #tpu.memory_space<vmem>>, vector<16xf32>,
      tpu.vector_store %arg7[%swap3A_209], %gather3A_70 {strides = array<i32>} : memref<16384xf32, #tpu.memory_space<vmem>>, vector<16xf32>,
      %mul3A_211 = arith.constant 16 : i32
      %mul3A_212 = arith.muli %scan3A_45, %mul3A_211 : i32
      %add3A_213 = arith.constant 3 : i32
      %add3A_214 = arith.addi %mul3A_212, %add3A_213 : i32
      %mul3A_215 = arith.constant 16 : i32
      %mul3A_216 = arith.muli %add3A_214, %mul3A_215 : i32
      %swap3A_217 = arith.index_cast %mul3A_216 : i32 to index
      %swap3A_218 = tpu.vector_load %arg7[%swap3A_217] {strides = array<i32>} : memref<16384xf32, #tpu.memory_space<vmem>>, vector<16xf32>,
      tpu.vector_store %arg7[%swap3A_217], %gather3A_79 {strides = array<i32>} : memref<16384xf32, #tpu.memory_space<vmem>>, vector<16xf32>,
      %mul3A_219 = arith.constant 16 : i32
      %mul3A_220 = arith.muli %scan3A_45, %mul3A_219 : i32
      %add3A_221 = arith.constant 4 : i32
      %add3A_222 = arith.addi %mul3A_220, %add3A_221 : i32
      %mul3A_223 = arith.constant 16 : i32
      %mul3A_224 = arith.muli %add3A_222, %mul3A_223 : i32
      %swap3A_225 = arith.index_cast %mul3A_224 : i32 to index
      %swap3A_226 = tpu.vector_load %arg7[%swap3A_225] {strides = array<i32>} : memref<16384xf32, #tpu.memory_space<vmem>>, vector<16xf32>,
      tpu.vector_store %arg7[%swap3A_225], %gather3A_88 {strides = array<i32>} : memref<16384xf32, #tpu.memory_space<vmem>>, vector<16xf32>,
      %mul3A_227 = arith.constant 16 : i32
      %mul3A_228 = arith.muli %scan3A_45, %mul3A_227 : i32
      %add3A_229 = arith.constant 5 : i32
      %add3A_230 = arith.addi %mul3A_228, %add3A_229 : i32
      %mul3A_231 = arith.constant 16 : i32
      %mul3A_232 = arith.muli %add3A_230, %mul3A_231 : i32
      %swap3A_233 = arith.index_cast %mul3A_232 : i32 to index
      %swap3A_234 = tpu.vector_load %arg7[%swap3A_233] {strides = array<i32>} : memref<16384xf32, #tpu.memory_space<vmem>>, vector<16xf32>,
      tpu.vector_store %arg7[%swap3A_233], %gather3A_97 {strides = array<i32>} : memref<16384xf32, #tpu.memory_space<vmem>>, vector<16xf32>,
      %mul3A_235 = arith.constant 16 : i32
      %mul3A_236 = arith.muli %scan3A_45, %mul3A_235 : i32
      %add3A_237 = arith.constant 6 : i32
      %add3A_238 = arith.addi %mul3A_236, %add3A_237 : i32
      %mul3A_239 = arith.constant 16 : i32
      %mul3A_240 = arith.muli %add3A_238, %mul3A_239 : i32
      %swap3A_241 = arith.index_cast %mul3A_240 : i32 to index
      %swap3A_242 = tpu.vector_load %arg7[%swap3A_241] {strides = array<i32>} : memref<16384xf32, #tpu.memory_space<vmem>>, vector<16xf32>,
      tpu.vector_store %arg7[%swap3A_241], %gather3A_106 {strides = array<i32>} : memref<16384xf32, #tpu.memory_space<vmem>>, vector<16xf32>,
      %mul3A_243 = arith.constant 16 : i32
      %mul3A_244 = arith.muli %scan3A_45, %mul3A_243 : i32
      %add3A_245 = arith.constant 7 : i32
      %add3A_246 = arith.addi %mul3A_244, %add3A_245 : i32
      %mul3A_247 = arith.constant 16 : i32
      %mul3A_248 = arith.muli %add3A_246, %mul3A_247 : i32
      %swap3A_249 = arith.index_cast %mul3A_248 : i32 to index
      %swap3A_250 = tpu.vector_load %arg7[%swap3A_249] {strides = array<i32>} : memref<16384xf32, #tpu.memory_space<vmem>>, vector<16xf32>,
      tpu.vector_store %arg7[%swap3A_249], %gather3A_115 {strides = array<i32>} : memref<16384xf32, #tpu.memory_space<vmem>>, vector<16xf32>,
      %mul3A_251 = arith.constant 16 : i32
      %mul3A_252 = arith.muli %scan3A_45, %mul3A_251 : i32
      %add3A_253 = arith.constant 8 : i32
      %add3A_254 = arith.addi %mul3A_252, %add3A_253 : i32
      %mul3A_255 = arith.constant 16 : i32
      %mul3A_256 = arith.muli %add3A_254, %mul3A_255 : i32
      %swap3A_257 = arith.index_cast %mul3A_256 : i32 to index
      %swap3A_258 = tpu.vector_load %arg7[%swap3A_257] {strides = array<i32>} : memref<16384xf32, #tpu.memory_space<vmem>>, vector<16xf32>,
      tpu.vector_store %arg7[%swap3A_257], %gather3A_124 {strides = array<i32>} : memref<16384xf32, #tpu.memory_space<vmem>>, vector<16xf32>,
      %mul3A_259 = arith.constant 16 : i32
      %mul3A_260 = arith.muli %scan3A_45, %mul3A_259 : i32
      %add3A_261 = arith.constant 9 : i32
      %add3A_262 = arith.addi %mul3A_260, %add3A_261 : i32
      %mul3A_263 = arith.constant 16 : i32
      %mul3A_264 = arith.muli %add3A_262, %mul3A_263 : i32
      %swap3A_265 = arith.index_cast %mul3A_264 : i32 to index
      %swap3A_266 = tpu.vector_load %arg7[%swap3A_265] {strides = array<i32>} : memref<16384xf32, #tpu.memory_space<vmem>>, vector<16xf32>,
      tpu.vector_store %arg7[%swap3A_265], %gather3A_133 {strides = array<i32>} : memref<16384xf32, #tpu.memory_space<vmem>>, vector<16xf32>,
      %mul3A_267 = arith.constant 16 : i32
      %mul3A_268 = arith.muli %scan3A_45, %mul3A_267 : i32
      %add3A_269 = arith.constant 10 : i32
      %add3A_270 = arith.addi %mul3A_268, %add3A_269 : i32
      %mul3A_271 = arith.constant 16 : i32
      %mul3A_272 = arith.muli %add3A_270, %mul3A_271 : i32
      %swap3A_273 = arith.index_cast %mul3A_272 : i32 to index
      %swap3A_274 = tpu.vector_load %arg7[%swap3A_273] {strides = array<i32>} : memref<16384xf32, #tpu.memory_space<vmem>>, vector<16xf32>,
      tpu.vector_store %arg7[%swap3A_273], %gather3A_142 {strides = array<i32>} : memref<16384xf32, #tpu.memory_space<vmem>>, vector<16xf32>,
      %mul3A_275 = arith.constant 16 : i32
      %mul3A_276 = arith.muli %scan3A_45, %mul3A_275 : i32
      %add3A_277 = arith.constant 11 : i32
      %add3A_278 = arith.addi %mul3A_276, %add3A_277 : i32
      %mul3A_279 = arith.constant 16 : i32
      %mul3A_280 = arith.muli %add3A_278, %mul3A_279 : i32
      %swap3A_281 = arith.index_cast %mul3A_280 : i32 to index
      %swap3A_282 = tpu.vector_load %arg7[%swap3A_281] {strides = array<i32>} : memref<16384xf32, #tpu.memory_space<vmem>>, vector<16xf32>,
      tpu.vector_store %arg7[%swap3A_281], %gather3A_151 {strides = array<i32>} : memref<16384xf32, #tpu.memory_space<vmem>>, vector<16xf32>,
      %mul3A_283 = arith.constant 16 : i32
      %mul3A_284 = arith.muli %scan3A_45, %mul3A_283 : i32
      %add3A_285 = arith.constant 12 : i32
      %add3A_286 = arith.addi %mul3A_284, %add3A_285 : i32
      %mul3A_287 = arith.constant 16 : i32
      %mul3A_288 = arith.muli %add3A_286, %mul3A_287 : i32
      %swap3A_289 = arith.index_cast %mul3A_288 : i32 to index
      %swap3A_290 = tpu.vector_load %arg7[%swap3A_289] {strides = array<i32>} : memref<16384xf32, #tpu.memory_space<vmem>>, vector<16xf32>,
      tpu.vector_store %arg7[%swap3A_289], %gather3A_160 {strides = array<i32>} : memref<16384xf32, #tpu.memory_space<vmem>>, vector<16xf32>,
      %mul3A_291 = arith.constant 16 : i32
      %mul3A_292 = arith.muli %scan3A_45, %mul3A_291 : i32
      %add3A_293 = arith.constant 13 : i32
      %add3A_294 = arith.addi %mul3A_292, %add3A_293 : i32
      %mul3A_295 = arith.constant 16 : i32
      %mul3A_296 = arith.muli %add3A_294, %mul3A_295 : i32
      %swap3A_297 = arith.index_cast %mul3A_296 : i32 to index
      %swap3A_298 = tpu.vector_load %arg7[%swap3A_297] {strides = array<i32>} : memref<16384xf32, #tpu.memory_space<vmem>>, vector<16xf32>,
      tpu.vector_store %arg7[%swap3A_297], %gather3A_169 {strides = array<i32>} : memref<16384xf32, #tpu.memory_space<vmem>>, vector<16xf32>,
      %mul3A_299 = arith.constant 16 : i32
      %mul3A_300 = arith.muli %scan3A_45, %mul3A_299 : i32
      %add3A_301 = arith.constant 14 : i32
      %add3A_302 = arith.addi %mul3A_300, %add3A_301 : i32
      %mul3A_303 = arith.constant 16 : i32
      %mul3A_304 = arith.muli %add3A_302, %mul3A_303 : i32
      %swap3A_305 = arith.index_cast %mul3A_304 : i32 to index
      %swap3A_306 = tpu.vector_load %arg7[%swap3A_305] {strides = array<i32>} : memref<16384xf32, #tpu.memory_space<vmem>>, vector<16xf32>,
      tpu.vector_store %arg7[%swap3A_305], %gather3A_178 {strides = array<i32>} : memref<16384xf32, #tpu.memory_space<vmem>>, vector<16xf32>,
      %mul3A_307 = arith.constant 16 : i32
      %mul3A_308 = arith.muli %scan3A_45, %mul3A_307 : i32
      %add3A_309 = arith.constant 15 : i32
      %add3A_310 = arith.addi %mul3A_308, %add3A_309 : i32
      %mul3A_311 = arith.constant 16 : i32
      %mul3A_312 = arith.muli %add3A_310, %mul3A_311 : i32
      %swap3A_313 = arith.index_cast %mul3A_312 : i32 to index
      %swap3A_314 = tpu.vector_load %arg7[%swap3A_313] {strides = array<i32>} : memref<16384xf32, #tpu.memory_space<vmem>>, vector<16xf32>,
      tpu.vector_store %arg7[%swap3A_313], %gather3A_187 {strides = array<i32>} : memref<16384xf32, #tpu.memory_space<vmem>>, vector<16xf32>,
    }
    %scan3A_31 = arith.constant 64 : i32
    %dma_start3A_32 = arith.constant 0 : i32
    %dma_start3A_33 = tpu.memref_slice %arg4[%select_n3A_4, %select_n3A, %dma_start3A_32] : memref<3x16x16384xf32, #tpu.memory_space<hbm>> -> memref<1x1x16384xf32, #tpu.memory_space<hbm>>
    %dma_start3A_34 = tpu.memref_squeeze %dma_start3A_33 : memref<1x1x16384xf32, #tpu.memory_space<hbm>> -> memref<16384xf32, #tpu.memory_space<hbm>>
    %dma_start3A_35 = arith.constant 0 : i32
    %dma_start3A_36 = tpu.memref_slice %arg4[%select_n3A_4, %select_n3A, %dma_start3A_35] : memref<3x16x16384xf32, #tpu.memory_space<hbm>> -> memref<1x1x16384xf32, #tpu.memory_space<hbm>>
    %dma_start3A_37 = tpu.memref_squeeze %dma_start3A_36 : memref<1x1x16384xf32, #tpu.memory_space<hbm>> -> memref<16384xf32, #tpu.memory_space<hbm>>
    tpu.enqueue_dma source(%arg7 : memref<16384xf32, #tpu.memory_space<vmem>>) target(%dma_start3A_37 : memref<16384xf32, #tpu.memory_space<hbm>>) target_semaphore(%arg11 : memref<!tpu.dma_semaphore, #tpu.memory_space<semaphore_mem>>)
    %convert_element_type3A = arith.extui %lt3A_1 : i1 to i32
    %cond3A = arith.constant 0 : i32
    %cond3A_38 = arith.cmpi ne, %convert_element_type3A, %cond3A : i32
    scf.if %cond3A_38 {
      %run_scoped3A = arith.constant 1 : i32
      "tpu.region"() ({
        %run_scoped3A_52 = tpu.sem_alloc : memref<!tpu.dma_semaphore, #tpu.memory_space<semaphore_mem>>
        %dma_start3A_53 = arith.constant 0 : i32
        %dma_start3A_54 = tpu.memref_slice %arg2[%run_scoped3A, %select_n3A, %dma_start3A_53] : memref<3x16x65536xf32, #tpu.memory_space<hbm>> -> memref<1x1x65536xf32, #tpu.memory_space<hbm>>
        %dma_start3A_55 = tpu.memref_squeeze %dma_start3A_54 : memref<1x1x65536xf32, #tpu.memory_space<hbm>> -> memref<65536xf32, #tpu.memory_space<hbm>>
        %dma_start3A_56 = arith.constant 0 : i32
        %dma_start3A_57 = tpu.memref_slice %arg2[%run_scoped3A, %select_n3A, %dma_start3A_56] : memref<3x16x65536xf32, #tpu.memory_space<hbm>> -> memref<1x1x65536xf32, #tpu.memory_space<hbm>>
        %dma_start3A_58 = tpu.memref_squeeze %dma_start3A_57 : memref<1x1x65536xf32, #tpu.memory_space<hbm>> -> memref<65536xf32, #tpu.memory_space<hbm>>
        tpu.enqueue_dma source(%dma_start3A_58 : memref<65536xf32, #tpu.memory_space<hbm>>) target(%arg5 : memref<65536xf32, #tpu.memory_space<vmem>>) target_semaphore(%run_scoped3A_52 : memref<!tpu.dma_semaphore, #tpu.memory_space<semaphore_mem>>)
        %dma_wait3A_59 = arith.constant 0 : i32
        %dma_wait3A_60 = tpu.memref_slice %arg2[%run_scoped3A, %select_n3A, %dma_wait3A_59] : memref<3x16x65536xf32, #tpu.memory_space<hbm>> -> memref<1x1x65536xf32, #tpu.memory_space<hbm>>
        %dma_wait3A_61 = tpu.memref_squeeze %dma_wait3A_60 : memref<1x1x65536xf32, #tpu.memory_space<hbm>> -> memref<65536xf32, #tpu.memory_space<hbm>>
        %dma_wait3A_62 = arith.constant 0 : i32
        %dma_wait3A_63 = tpu.memref_slice %arg2[%run_scoped3A, %select_n3A, %dma_wait3A_62] : memref<3x16x65536xf32, #tpu.memory_space<hbm>> -> memref<1x1x65536xf32, #tpu.memory_space<hbm>>
        %dma_wait3A_64 = tpu.memref_squeeze %dma_wait3A_63 : memref<1x1x65536xf32, #tpu.memory_space<hbm>> -> memref<65536xf32, #tpu.memory_space<hbm>>
        tpu.wait_dma2 semaphore(%run_scoped3A_52 : memref<!tpu.dma_semaphore, #tpu.memory_space<semaphore_mem>>) src(%dma_wait3A_64 : memref<65536xf32, #tpu.memory_space<hbm>>) dst(%arg5 : memref<65536xf32, #tpu.memory_space<vmem>>)
        tpu.yield
      }) : () -> ()
      %scan3A_45 = arith.constant 0 : i32
      %scan3A_46 = arith.constant 0 : i32
      %scan3A_47 = arith.constant 64 : i32
      %scan3A_48 = arith.addi %scan3A_46, %scan3A_47 : i32
      %scan3A_49 = arith.constant 1 : i32
      scf.for %scan3A_52 = %scan3A_46 to %scan3A_48 step %scan3A_49  : i32 {
        %mul3A_53 = arith.constant 16 : i32
        %mul3A_54 = arith.muli %scan3A_52, %mul3A_53 : i32
        %add3A_55 = arith.constant 0 : i32
        %add3A_56 = arith.addi %mul3A_54, %add3A_55 : i32
        %mul3A_57 = arith.constant 16 : i32
        %mul3A_58 = arith.muli %add3A_56, %mul3A_57 : i32
        %get3A = arith.index_cast %mul3A_58 : i32 to index
        %get3A_59 = tpu.vector_load %arg6[%get3A] {strides = array<i32>} : memref<16384xi32, #tpu.memory_space<vmem>>, vector<16xi32>,
        %gather3A = tpu.vector_load_idx %arg5[%get3A_59] : memref<65536xf32, #tpu.memory_space<vmem>>[vector<16xi32>], vector<16xf32>,
        %mul3A_60 = arith.constant 16 : i32
        %mul3A_61 = arith.muli %scan3A_52, %mul3A_60 : i32
        %add3A_62 = arith.constant 1 : i32
        %add3A_63 = arith.addi %mul3A_61, %add3A_62 : i32
        %mul3A_64 = arith.constant 16 : i32
        %mul3A_65 = arith.muli %add3A_63, %mul3A_64 : i32
        %get3A_66 = arith.index_cast %mul3A_65 : i32 to index
        %get3A_67 = tpu.vector_load %arg6[%get3A_66] {strides = array<i32>} : memref<16384xi32, #tpu.memory_space<vmem>>, vector<16xi32>,
        %gather3A_68 = tpu.vector_load_idx %arg5[%get3A_67] : memref<65536xf32, #tpu.memory_space<vmem>>[vector<16xi32>], vector<16xf32>,
        %mul3A_69 = arith.constant 16 : i32
        %mul3A_70 = arith.muli %scan3A_52, %mul3A_69 : i32
        %add3A_71 = arith.constant 2 : i32
        %add3A_72 = arith.addi %mul3A_70, %add3A_71 : i32
        %mul3A_73 = arith.constant 16 : i32
        %mul3A_74 = arith.muli %add3A_72, %mul3A_73 : i32
        %get3A_75 = arith.index_cast %mul3A_74 : i32 to index
        %get3A_76 = tpu.vector_load %arg6[%get3A_75] {strides = array<i32>} : memref<16384xi32, #tpu.memory_space<vmem>>, vector<16xi32>,
        %gather3A_77 = tpu.vector_load_idx %arg5[%get3A_76] : memref<65536xf32, #tpu.memory_space<vmem>>[vector<16xi32>], vector<16xf32>,
        %mul3A_78 = arith.constant 16 : i32
        %mul3A_79 = arith.muli %scan3A_52, %mul3A_78 : i32
        %add3A_80 = arith.constant 3 : i32
        %add3A_81 = arith.addi %mul3A_79, %add3A_80 : i32
        %mul3A_82 = arith.constant 16 : i32
        %mul3A_83 = arith.muli %add3A_81, %mul3A_82 : i32
        %get3A_84 = arith.index_cast %mul3A_83 : i32 to index
        %get3A_85 = tpu.vector_load %arg6[%get3A_84] {strides = array<i32>} : memref<16384xi32, #tpu.memory_space<vmem>>, vector<16xi32>,
        %gather3A_86 = tpu.vector_load_idx %arg5[%get3A_85] : memref<65536xf32, #tpu.memory_space<vmem>>[vector<16xi32>], vector<16xf32>,
        %mul3A_87 = arith.constant 16 : i32
        %mul3A_88 = arith.muli %scan3A_52, %mul3A_87 : i32
        %add3A_89 = arith.constant 4 : i32
        %add3A_90 = arith.addi %mul3A_88, %add3A_89 : i32
        %mul3A_91 = arith.constant 16 : i32
        %mul3A_92 = arith.muli %add3A_90, %mul3A_91 : i32
        %get3A_93 = arith.index_cast %mul3A_92 : i32 to index
        %get3A_94 = tpu.vector_load %arg6[%get3A_93] {strides = array<i32>} : memref<16384xi32, #tpu.memory_space<vmem>>, vector<16xi32>,
        %gather3A_95 = tpu.vector_load_idx %arg5[%get3A_94] : memref<65536xf32, #tpu.memory_space<vmem>>[vector<16xi32>], vector<16xf32>,
        %mul3A_96 = arith.constant 16 : i32
        %mul3A_97 = arith.muli %scan3A_52, %mul3A_96 : i32
        %add3A_98 = arith.constant 5 : i32
        %add3A_99 = arith.addi %mul3A_97, %add3A_98 : i32
        %mul3A_100 = arith.constant 16 : i32
        %mul3A_101 = arith.muli %add3A_99, %mul3A_100 : i32
        %get3A_102 = arith.index_cast %mul3A_101 : i32 to index
        %get3A_103 = tpu.vector_load %arg6[%get3A_102] {strides = array<i32>} : memref<16384xi32, #tpu.memory_space<vmem>>, vector<16xi32>,
        %gather3A_104 = tpu.vector_load_idx %arg5[%get3A_103] : memref<65536xf32, #tpu.memory_space<vmem>>[vector<16xi32>], vector<16xf32>,
        %mul3A_105 = arith.constant 16 : i32
        %mul3A_106 = arith.muli %scan3A_52, %mul3A_105 : i32
        %add3A_107 = arith.constant 6 : i32
        %add3A_108 = arith.addi %mul3A_106, %add3A_107 : i32
        %mul3A_109 = arith.constant 16 : i32
        %mul3A_110 = arith.muli %add3A_108, %mul3A_109 : i32
        %get3A_111 = arith.index_cast %mul3A_110 : i32 to index
        %get3A_112 = tpu.vector_load %arg6[%get3A_111] {strides = array<i32>} : memref<16384xi32, #tpu.memory_space<vmem>>, vector<16xi32>,
        %gather3A_113 = tpu.vector_load_idx %arg5[%get3A_112] : memref<65536xf32, #tpu.memory_space<vmem>>[vector<16xi32>], vector<16xf32>,
        %mul3A_114 = arith.constant 16 : i32
        %mul3A_115 = arith.muli %scan3A_52, %mul3A_114 : i32
        %add3A_116 = arith.constant 7 : i32
        %add3A_117 = arith.addi %mul3A_115, %add3A_116 : i32
        %mul3A_118 = arith.constant 16 : i32
        %mul3A_119 = arith.muli %add3A_117, %mul3A_118 : i32
        %get3A_120 = arith.index_cast %mul3A_119 : i32 to index
        %get3A_121 = tpu.vector_load %arg6[%get3A_120] {strides = array<i32>} : memref<16384xi32, #tpu.memory_space<vmem>>, vector<16xi32>,
        %gather3A_122 = tpu.vector_load_idx %arg5[%get3A_121] : memref<65536xf32, #tpu.memory_space<vmem>>[vector<16xi32>], vector<16xf32>,
        %mul3A_123 = arith.constant 16 : i32
        %mul3A_124 = arith.muli %scan3A_52, %mul3A_123 : i32
        %add3A_125 = arith.constant 8 : i32
        %add3A_126 = arith.addi %mul3A_124, %add3A_125 : i32
        %mul3A_127 = arith.constant 16 : i32
        %mul3A_128 = arith.muli %add3A_126, %mul3A_127 : i32
        %get3A_129 = arith.index_cast %mul3A_128 : i32 to index
        %get3A_130 = tpu.vector_load %arg6[%get3A_129] {strides = array<i32>} : memref<16384xi32, #tpu.memory_space<vmem>>, vector<16xi32>,
        %gather3A_131 = tpu.vector_load_idx %arg5[%get3A_130] : memref<65536xf32, #tpu.memory_space<vmem>>[vector<16xi32>], vector<16xf32>,
        %mul3A_132 = arith.constant 16 : i32
        %mul3A_133 = arith.muli %scan3A_52, %mul3A_132 : i32
        %add3A_134 = arith.constant 9 : i32
        %add3A_135 = arith.addi %mul3A_133, %add3A_134 : i32
        %mul3A_136 = arith.constant 16 : i32
        %mul3A_137 = arith.muli %add3A_135, %mul3A_136 : i32
        %get3A_138 = arith.index_cast %mul3A_137 : i32 to index
        %get3A_139 = tpu.vector_load %arg6[%get3A_138] {strides = array<i32>} : memref<16384xi32, #tpu.memory_space<vmem>>, vector<16xi32>,
        %gather3A_140 = tpu.vector_load_idx %arg5[%get3A_139] : memref<65536xf32, #tpu.memory_space<vmem>>[vector<16xi32>], vector<16xf32>,
        %mul3A_141 = arith.constant 16 : i32
        %mul3A_142 = arith.muli %scan3A_52, %mul3A_141 : i32
        %add3A_143 = arith.constant 10 : i32
        %add3A_144 = arith.addi %mul3A_142, %add3A_143 : i32
        %mul3A_145 = arith.constant 16 : i32
        %mul3A_146 = arith.muli %add3A_144, %mul3A_145 : i32
        %get3A_147 = arith.index_cast %mul3A_146 : i32 to index
        %get3A_148 = tpu.vector_load %arg6[%get3A_147] {strides = array<i32>} : memref<16384xi32, #tpu.memory_space<vmem>>, vector<16xi32>,
        %gather3A_149 = tpu.vector_load_idx %arg5[%get3A_148] : memref<65536xf32, #tpu.memory_space<vmem>>[vector<16xi32>], vector<16xf32>,
        %mul3A_150 = arith.constant 16 : i32
        %mul3A_151 = arith.muli %scan3A_52, %mul3A_150 : i32
        %add3A_152 = arith.constant 11 : i32
        %add3A_153 = arith.addi %mul3A_151, %add3A_152 : i32
        %mul3A_154 = arith.constant 16 : i32
        %mul3A_155 = arith.muli %add3A_153, %mul3A_154 : i32
        %get3A_156 = arith.index_cast %mul3A_155 : i32 to index
        %get3A_157 = tpu.vector_load %arg6[%get3A_156] {strides = array<i32>} : memref<16384xi32, #tpu.memory_space<vmem>>, vector<16xi32>,
        %gather3A_158 = tpu.vector_load_idx %arg5[%get3A_157] : memref<65536xf32, #tpu.memory_space<vmem>>[vector<16xi32>], vector<16xf32>,
        %mul3A_159 = arith.constant 16 : i32
        %mul3A_160 = arith.muli %scan3A_52, %mul3A_159 : i32
        %add3A_161 = arith.constant 12 : i32
        %add3A_162 = arith.addi %mul3A_160, %add3A_161 : i32
        %mul3A_163 = arith.constant 16 : i32
        %mul3A_164 = arith.muli %add3A_162, %mul3A_163 : i32
        %get3A_165 = arith.index_cast %mul3A_164 : i32 to index
        %get3A_166 = tpu.vector_load %arg6[%get3A_165] {strides = array<i32>} : memref<16384xi32, #tpu.memory_space<vmem>>, vector<16xi32>,
        %gather3A_167 = tpu.vector_load_idx %arg5[%get3A_166] : memref<65536xf32, #tpu.memory_space<vmem>>[vector<16xi32>], vector<16xf32>,
        %mul3A_168 = arith.constant 16 : i32
        %mul3A_169 = arith.muli %scan3A_52, %mul3A_168 : i32
        %add3A_170 = arith.constant 13 : i32
        %add3A_171 = arith.addi %mul3A_169, %add3A_170 : i32
        %mul3A_172 = arith.constant 16 : i32
        %mul3A_173 = arith.muli %add3A_171, %mul3A_172 : i32
        %get3A_174 = arith.index_cast %mul3A_173 : i32 to index
        %get3A_175 = tpu.vector_load %arg6[%get3A_174] {strides = array<i32>} : memref<16384xi32, #tpu.memory_space<vmem>>, vector<16xi32>,
        %gather3A_176 = tpu.vector_load_idx %arg5[%get3A_175] : memref<65536xf32, #tpu.memory_space<vmem>>[vector<16xi32>], vector<16xf32>,
        %mul3A_177 = arith.constant 16 : i32
        %mul3A_178 = arith.muli %scan3A_52, %mul3A_177 : i32
        %add3A_179 = arith.constant 14 : i32
        %add3A_180 = arith.addi %mul3A_178, %add3A_179 : i32
        %mul3A_181 = arith.constant 16 : i32
        %mul3A_182 = arith.muli %add3A_180, %mul3A_181 : i32
        %get3A_183 = arith.index_cast %mul3A_182 : i32 to index
        %get3A_184 = tpu.vector_load %arg6[%get3A_183] {strides = array<i32>} : memref<16384xi32, #tpu.memory_space<vmem>>, vector<16xi32>,
        %gather3A_185 = tpu.vector_load_idx %arg5[%get3A_184] : memref<65536xf32, #tpu.memory_space<vmem>>[vector<16xi32>], vector<16xf32>,
        %mul3A_186 = arith.constant 16 : i32
        %mul3A_187 = arith.muli %scan3A_52, %mul3A_186 : i32
        %add3A_188 = arith.constant 15 : i32
        %add3A_189 = arith.addi %mul3A_187, %add3A_188 : i32
        %mul3A_190 = arith.constant 16 : i32
        %mul3A_191 = arith.muli %add3A_189, %mul3A_190 : i32
        %get3A_192 = arith.index_cast %mul3A_191 : i32 to index
        %get3A_193 = tpu.vector_load %arg6[%get3A_192] {strides = array<i32>} : memref<16384xi32, #tpu.memory_space<vmem>>, vector<16xi32>,
        %gather3A_194 = tpu.vector_load_idx %arg5[%get3A_193] : memref<65536xf32, #tpu.memory_space<vmem>>[vector<16xi32>], vector<16xf32>,
        %mul3A_195 = arith.constant 16 : i32
        %mul3A_196 = arith.muli %scan3A_52, %mul3A_195 : i32
        %add3A_197 = arith.constant 0 : i32
        %add3A_198 = arith.addi %mul3A_196, %add3A_197 : i32
        %mul3A_199 = arith.constant 16 : i32
        %mul3A_200 = arith.muli %add3A_198, %mul3A_199 : i32
        %swap3A = arith.index_cast %mul3A_200 : i32 to index
        %swap3A_201 = tpu.vector_load %arg8[%swap3A] {strides = array<i32>} : memref<16384xf32, #tpu.memory_space<vmem>>, vector<16xf32>,
        tpu.vector_store %arg8[%swap3A], %gather3A {strides = array<i32>} : memref<16384xf32, #tpu.memory_space<vmem>>, vector<16xf32>,
        %mul3A_202 = arith.constant 16 : i32
        %mul3A_203 = arith.muli %scan3A_52, %mul3A_202 : i32
        %add3A_204 = arith.constant 1 : i32
        %add3A_205 = arith.addi %mul3A_203, %add3A_204 : i32
        %mul3A_206 = arith.constant 16 : i32
        %mul3A_207 = arith.muli %add3A_205, %mul3A_206 : i32
        %swap3A_208 = arith.index_cast %mul3A_207 : i32 to index
        %swap3A_209 = tpu.vector_load %arg8[%swap3A_208] {strides = array<i32>} : memref<16384xf32, #tpu.memory_space<vmem>>, vector<16xf32>,
        tpu.vector_store %arg8[%swap3A_208], %gather3A_68 {strides = array<i32>} : memref<16384xf32, #tpu.memory_space<vmem>>, vector<16xf32>,
        %mul3A_210 = arith.constant 16 : i32
        %mul3A_211 = arith.muli %scan3A_52, %mul3A_210 : i32
        %add3A_212 = arith.constant 2 : i32
        %add3A_213 = arith.addi %mul3A_211, %add3A_212 : i32
        %mul3A_214 = arith.constant 16 : i32
        %mul3A_215 = arith.muli %add3A_213, %mul3A_214 : i32
        %swap3A_216 = arith.index_cast %mul3A_215 : i32 to index
        %swap3A_217 = tpu.vector_load %arg8[%swap3A_216] {strides = array<i32>} : memref<16384xf32, #tpu.memory_space<vmem>>, vector<16xf32>,
        tpu.vector_store %arg8[%swap3A_216], %gather3A_77 {strides = array<i32>} : memref<16384xf32, #tpu.memory_space<vmem>>, vector<16xf32>,
        %mul3A_218 = arith.constant 16 : i32
        %mul3A_219 = arith.muli %scan3A_52, %mul3A_218 : i32
        %add3A_220 = arith.constant 3 : i32
        %add3A_221 = arith.addi %mul3A_219, %add3A_220 : i32
        %mul3A_222 = arith.constant 16 : i32
        %mul3A_223 = arith.muli %add3A_221, %mul3A_222 : i32
        %swap3A_224 = arith.index_cast %mul3A_223 : i32 to index
        %swap3A_225 = tpu.vector_load %arg8[%swap3A_224] {strides = array<i32>} : memref<16384xf32, #tpu.memory_space<vmem>>, vector<16xf32>,
        tpu.vector_store %arg8[%swap3A_224], %gather3A_86 {strides = array<i32>} : memref<16384xf32, #tpu.memory_space<vmem>>, vector<16xf32>,
        %mul3A_226 = arith.constant 16 : i32
        %mul3A_227 = arith.muli %scan3A_52, %mul3A_226 : i32
        %add3A_228 = arith.constant 4 : i32
        %add3A_229 = arith.addi %mul3A_227, %add3A_228 : i32
        %mul3A_230 = arith.constant 16 : i32
        %mul3A_231 = arith.muli %add3A_229, %mul3A_230 : i32
        %swap3A_232 = arith.index_cast %mul3A_231 : i32 to index
        %swap3A_233 = tpu.vector_load %arg8[%swap3A_232] {strides = array<i32>} : memref<16384xf32, #tpu.memory_space<vmem>>, vector<16xf32>,
        tpu.vector_store %arg8[%swap3A_232], %gather3A_95 {strides = array<i32>} : memref<16384xf32, #tpu.memory_space<vmem>>, vector<16xf32>,
        %mul3A_234 = arith.constant 16 : i32
        %mul3A_235 = arith.muli %scan3A_52, %mul3A_234 : i32
        %add3A_236 = arith.constant 5 : i32
        %add3A_237 = arith.addi %mul3A_235, %add3A_236 : i32
        %mul3A_238 = arith.constant 16 : i32
        %mul3A_239 = arith.muli %add3A_237, %mul3A_238 : i32
        %swap3A_240 = arith.index_cast %mul3A_239 : i32 to index
        %swap3A_241 = tpu.vector_load %arg8[%swap3A_240] {strides = array<i32>} : memref<16384xf32, #tpu.memory_space<vmem>>, vector<16xf32>,
        tpu.vector_store %arg8[%swap3A_240], %gather3A_104 {strides = array<i32>} : memref<16384xf32, #tpu.memory_space<vmem>>, vector<16xf32>,
        %mul3A_242 = arith.constant 16 : i32
        %mul3A_243 = arith.muli %scan3A_52, %mul3A_242 : i32
        %add3A_244 = arith.constant 6 : i32
        %add3A_245 = arith.addi %mul3A_243, %add3A_244 : i32
        %mul3A_246 = arith.constant 16 : i32
        %mul3A_247 = arith.muli %add3A_245, %mul3A_246 : i32
        %swap3A_248 = arith.index_cast %mul3A_247 : i32 to index
        %swap3A_249 = tpu.vector_load %arg8[%swap3A_248] {strides = array<i32>} : memref<16384xf32, #tpu.memory_space<vmem>>, vector<16xf32>,
        tpu.vector_store %arg8[%swap3A_248], %gather3A_113 {strides = array<i32>} : memref<16384xf32, #tpu.memory_space<vmem>>, vector<16xf32>,
        %mul3A_250 = arith.constant 16 : i32
        %mul3A_251 = arith.muli %scan3A_52, %mul3A_250 : i32
        %add3A_252 = arith.constant 7 : i32
        %add3A_253 = arith.addi %mul3A_251, %add3A_252 : i32
        %mul3A_254 = arith.constant 16 : i32
        %mul3A_255 = arith.muli %add3A_253, %mul3A_254 : i32
        %swap3A_256 = arith.index_cast %mul3A_255 : i32 to index
        %swap3A_257 = tpu.vector_load %arg8[%swap3A_256] {strides = array<i32>} : memref<16384xf32, #tpu.memory_space<vmem>>, vector<16xf32>,
        tpu.vector_store %arg8[%swap3A_256], %gather3A_122 {strides = array<i32>} : memref<16384xf32, #tpu.memory_space<vmem>>, vector<16xf32>,
        %mul3A_258 = arith.constant 16 : i32
        %mul3A_259 = arith.muli %scan3A_52, %mul3A_258 : i32
        %add3A_260 = arith.constant 8 : i32
        %add3A_261 = arith.addi %mul3A_259, %add3A_260 : i32
        %mul3A_262 = arith.constant 16 : i32
        %mul3A_263 = arith.muli %add3A_261, %mul3A_262 : i32
        %swap3A_264 = arith.index_cast %mul3A_263 : i32 to index
        %swap3A_265 = tpu.vector_load %arg8[%swap3A_264] {strides = array<i32>} : memref<16384xf32, #tpu.memory_space<vmem>>, vector<16xf32>,
        tpu.vector_store %arg8[%swap3A_264], %gather3A_131 {strides = array<i32>} : memref<16384xf32, #tpu.memory_space<vmem>>, vector<16xf32>,
        %mul3A_266 = arith.constant 16 : i32
        %mul3A_267 = arith.muli %scan3A_52, %mul3A_266 : i32
        %add3A_268 = arith.constant 9 : i32
        %add3A_269 = arith.addi %mul3A_267, %add3A_268 : i32
        %mul3A_270 = arith.constant 16 : i32
        %mul3A_271 = arith.muli %add3A_269, %mul3A_270 : i32
        %swap3A_272 = arith.index_cast %mul3A_271 : i32 to index
        %swap3A_273 = tpu.vector_load %arg8[%swap3A_272] {strides = array<i32>} : memref<16384xf32, #tpu.memory_space<vmem>>, vector<16xf32>,
        tpu.vector_store %arg8[%swap3A_272], %gather3A_140 {strides = array<i32>} : memref<16384xf32, #tpu.memory_space<vmem>>, vector<16xf32>,
        %mul3A_274 = arith.constant 16 : i32
        %mul3A_275 = arith.muli %scan3A_52, %mul3A_274 : i32
        %add3A_276 = arith.constant 10 : i32
        %add3A_277 = arith.addi %mul3A_275, %add3A_276 : i32
        %mul3A_278 = arith.constant 16 : i32
        %mul3A_279 = arith.muli %add3A_277, %mul3A_278 : i32
        %swap3A_280 = arith.index_cast %mul3A_279 : i32 to index
        %swap3A_281 = tpu.vector_load %arg8[%swap3A_280] {strides = array<i32>} : memref<16384xf32, #tpu.memory_space<vmem>>, vector<16xf32>,
        tpu.vector_store %arg8[%swap3A_280], %gather3A_149 {strides = array<i32>} : memref<16384xf32, #tpu.memory_space<vmem>>, vector<16xf32>,
        %mul3A_282 = arith.constant 16 : i32
        %mul3A_283 = arith.muli %scan3A_52, %mul3A_282 : i32
        %add3A_284 = arith.constant 11 : i32
        %add3A_285 = arith.addi %mul3A_283, %add3A_284 : i32
        %mul3A_286 = arith.constant 16 : i32
        %mul3A_287 = arith.muli %add3A_285, %mul3A_286 : i32
        %swap3A_288 = arith.index_cast %mul3A_287 : i32 to index
        %swap3A_289 = tpu.vector_load %arg8[%swap3A_288] {strides = array<i32>} : memref<16384xf32, #tpu.memory_space<vmem>>, vector<16xf32>,
        tpu.vector_store %arg8[%swap3A_288], %gather3A_158 {strides = array<i32>} : memref<16384xf32, #tpu.memory_space<vmem>>, vector<16xf32>,
        %mul3A_290 = arith.constant 16 : i32
        %mul3A_291 = arith.muli %scan3A_52, %mul3A_290 : i32
        %add3A_292 = arith.constant 12 : i32
        %add3A_293 = arith.addi %mul3A_291, %add3A_292 : i32
        %mul3A_294 = arith.constant 16 : i32
        %mul3A_295 = arith.muli %add3A_293, %mul3A_294 : i32
        %swap3A_296 = arith.index_cast %mul3A_295 : i32 to index
        %swap3A_297 = tpu.vector_load %arg8[%swap3A_296] {strides = array<i32>} : memref<16384xf32, #tpu.memory_space<vmem>>, vector<16xf32>,
        tpu.vector_store %arg8[%swap3A_296], %gather3A_167 {strides = array<i32>} : memref<16384xf32, #tpu.memory_space<vmem>>, vector<16xf32>,
        %mul3A_298 = arith.constant 16 : i32
        %mul3A_299 = arith.muli %scan3A_52, %mul3A_298 : i32
        %add3A_300 = arith.constant 13 : i32
        %add3A_301 = arith.addi %mul3A_299, %add3A_300 : i32
        %mul3A_302 = arith.constant 16 : i32
        %mul3A_303 = arith.muli %add3A_301, %mul3A_302 : i32
        %swap3A_304 = arith.index_cast %mul3A_303 : i32 to index
        %swap3A_305 = tpu.vector_load %arg8[%swap3A_304] {strides = array<i32>} : memref<16384xf32, #tpu.memory_space<vmem>>, vector<16xf32>,
        tpu.vector_store %arg8[%swap3A_304], %gather3A_176 {strides = array<i32>} : memref<16384xf32, #tpu.memory_space<vmem>>, vector<16xf32>,
        %mul3A_306 = arith.constant 16 : i32
        %mul3A_307 = arith.muli %scan3A_52, %mul3A_306 : i32
        %add3A_308 = arith.constant 14 : i32
        %add3A_309 = arith.addi %mul3A_307, %add3A_308 : i32
        %mul3A_310 = arith.constant 16 : i32
        %mul3A_311 = arith.muli %add3A_309, %mul3A_310 : i32
        %swap3A_312 = arith.index_cast %mul3A_311 : i32 to index
        %swap3A_313 = tpu.vector_load %arg8[%swap3A_312] {strides = array<i32>} : memref<16384xf32, #tpu.memory_space<vmem>>, vector<16xf32>,
        tpu.vector_store %arg8[%swap3A_312], %gather3A_185 {strides = array<i32>} : memref<16384xf32, #tpu.memory_space<vmem>>, vector<16xf32>,
        %mul3A_314 = arith.constant 16 : i32
        %mul3A_315 = arith.muli %scan3A_52, %mul3A_314 : i32
        %add3A_316 = arith.constant 15 : i32
        %add3A_317 = arith.addi %mul3A_315, %add3A_316 : i32
        %mul3A_318 = arith.constant 16 : i32
        %mul3A_319 = arith.muli %add3A_317, %mul3A_318 : i32
        %swap3A_320 = arith.index_cast %mul3A_319 : i32 to index
        %swap3A_321 = tpu.vector_load %arg8[%swap3A_320] {strides = array<i32>} : memref<16384xf32, #tpu.memory_space<vmem>>, vector<16xf32>,
        tpu.vector_store %arg8[%swap3A_320], %gather3A_194 {strides = array<i32>} : memref<16384xf32, #tpu.memory_space<vmem>>, vector<16xf32>,
      }
      %scan3A_50 = arith.constant 64 : i32
      %run_scoped3A_51 = arith.constant 1 : i32
      "tpu.region"() ({
        %run_scoped3A_52 = tpu.sem_alloc : memref<!tpu.dma_semaphore, #tpu.memory_space<semaphore_mem>>
        %dma_start3A_53 = arith.constant 0 : i32
        %dma_start3A_54 = tpu.memref_slice %arg4[%run_scoped3A_51, %select_n3A, %dma_start3A_53] : memref<3x16x16384xf32, #tpu.memory_space<hbm>> -> memref<1x1x16384xf32, #tpu.memory_space<hbm>>
        %dma_start3A_55 = tpu.memref_squeeze %dma_start3A_54 : memref<1x1x16384xf32, #tpu.memory_space<hbm>> -> memref<16384xf32, #tpu.memory_space<hbm>>
        %dma_start3A_56 = arith.constant 0 : i32
        %dma_start3A_57 = tpu.memref_slice %arg4[%run_scoped3A_51, %select_n3A, %dma_start3A_56] : memref<3x16x16384xf32, #tpu.memory_space<hbm>> -> memref<1x1x16384xf32, #tpu.memory_space<hbm>>
        %dma_start3A_58 = tpu.memref_squeeze %dma_start3A_57 : memref<1x1x16384xf32, #tpu.memory_space<hbm>> -> memref<16384xf32, #tpu.memory_space<hbm>>
        tpu.enqueue_dma source(%arg8 : memref<16384xf32, #tpu.memory_space<vmem>>) target(%dma_start3A_58 : memref<16384xf32, #tpu.memory_space<hbm>>) target_semaphore(%run_scoped3A_52 : memref<!tpu.dma_semaphore, #tpu.memory_space<semaphore_mem>>)
        %dma_wait3A_59 = arith.constant 0 : i32
        %dma_wait3A_60 = tpu.memref_slice %arg4[%run_scoped3A_51, %select_n3A, %dma_wait3A_59] : memref<3x16x16384xf32, #tpu.memory_space<hbm>> -> memref<1x1x16384xf32, #tpu.memory_space<hbm>>
        %dma_wait3A_61 = tpu.memref_squeeze %dma_wait3A_60 : memref<1x1x16384xf32, #tpu.memory_space<hbm>> -> memref<16384xf32, #tpu.memory_space<hbm>>
        %dma_wait3A_62 = arith.constant 0 : i32
        %dma_wait3A_63 = tpu.memref_slice %arg4[%run_scoped3A_51, %select_n3A, %dma_wait3A_62] : memref<3x16x16384xf32, #tpu.memory_space<hbm>> -> memref<1x1x16384xf32, #tpu.memory_space<hbm>>
        %dma_wait3A_64 = tpu.memref_squeeze %dma_wait3A_63 : memref<1x1x16384xf32, #tpu.memory_space<hbm>> -> memref<16384xf32, #tpu.memory_space<hbm>>
        tpu.wait_dma2 semaphore(%run_scoped3A_52 : memref<!tpu.dma_semaphore, #tpu.memory_space<semaphore_mem>>) src(%arg8 : memref<16384xf32, #tpu.memory_space<vmem>>) dst(%dma_wait3A_64 : memref<16384xf32, #tpu.memory_space<hbm>>)
        tpu.yield
      }) : () -> ()
    } else {
    }
    %dma_wait3A_39 = arith.constant 0 : i32
    %dma_wait3A_40 = tpu.memref_slice %arg4[%select_n3A_4, %select_n3A, %dma_wait3A_39] : memref<3x16x16384xf32, #tpu.memory_space<hbm>> -> memref<1x1x16384xf32, #tpu.memory_space<hbm>>
    %dma_wait3A_41 = tpu.memref_squeeze %dma_wait3A_40 : memref<1x1x16384xf32, #tpu.memory_space<hbm>> -> memref<16384xf32, #tpu.memory_space<hbm>>
    %dma_wait3A_42 = arith.constant 0 : i32
    %dma_wait3A_43 = tpu.memref_slice %arg4[%select_n3A_4, %select_n3A, %dma_wait3A_42] : memref<3x16x16384xf32, #tpu.memory_space<hbm>> -> memref<1x1x16384xf32, #tpu.memory_space<hbm>>
    %dma_wait3A_44 = tpu.memref_squeeze %dma_wait3A_43 : memref<1x1x16384xf32, #tpu.memory_space<hbm>> -> memref<16384xf32, #tpu.memory_space<hbm>>
    tpu.wait_dma2 semaphore(%arg11 : memref<!tpu.dma_semaphore, #tpu.memory_space<semaphore_mem>>) src(%arg7 : memref<16384xf32, #tpu.memory_space<vmem>>) dst(%dma_wait3A_44 : memref<16384xf32, #tpu.memory_space<hbm>>)
    return
  }
}

</mosaic_0001>

<sc_bundles>
// kernel: kernel.3.cloned.1.call-start
scs
__scs_entry_jumppad:
0x0: {  	(pc) =	sbr.rel $0x88, $3  }
0x1: {  	(tag) =	ssettag $0x0;
	lr =	simm.s32 $0x1  }
0x2: {  	[smem:$0x3F9F] =	sst lr;
	_ =	strace $0xD0000000  }
0x3: {  	_ = 	snop  }
0x4: {  	_ = 	snop  }
0x5: {  	_ = 	snop  }
0x6: {  	_ = 	snop  }
0x7: {  	_ = 	snop  }
__scs_overlays_trampoline_lowered:
0x8: {  	[smem:$0x3FAE] =	sst s0  }
0x9: {  	[smem:$0x3FAF] =	sst s1  }
0xa: {  	[smem:$0x3FB0] =	sst s2  }
0xb: {  	[smem:$0x3FB1] =	sst s3  }
0xc: {  	[smem:$0x3FB2] =	sst s4  }
0xd: {  	[smem:$0x3FB3] =	sst s5  }
0xe: {  	[smem:$0x3FB4] =	sst s6  }
0xf: {  	[smem:$0x3FB5] =	sst s7  }
0x10: {  	[smem:$0x3FB6] =	sst s8  }
0x11: {  	[smem:$0x3FB7] =	sst s9;
	s0 =	simm.s32 @!p0 $0x0  }
0x12: {  	s1 =	sld [smem:$0x3F9D];
	s0 =	simm.s32 @p0 $0x1  }
0x13: {  	[smem:$0x3FB8] =	sst s0;
	s0 =	simm.s32 @!p1 $0x0  }
0x14: {  	s2 =	sld [smem:$0x3F9C];
	s0 =	simm.s32 @p1 $0x1  }
0x15: {  	[smem:$0x3FB9] =	sst s0;
	s0 =	simm.s32 @!p2 $0x0  }
0x16: {  	s3 =	sld [smem:$0x3FDB];
	s0 =	simm.s32 @p2 $0x1  }
0x17: {  	s4 =	simm.s32 $0x1BF5;
	[smem:$0x3FBB] =	sst s0  }
0x18: {  	s0 =	sld [smem:$0x3F9E];
	_ =	swait.ge [sflag:s4], $0x0  }
0x19: {  	s7 =	sld [smem:$0x3F9F]  }
0x1a: {  	s8 =	sadd.s32 $0xFFFFE003, lr  }
0x1b: {  	s9 =	sadd.s32 $0xFFFFFEF7, lr;
	s5 =	simm.s32 $0xFFFFFFFF;
	p2 =	slt.u32 s8, $0xFFFFF086  }
0x1c: {  	p1 =	slt.u32 s9, $0xF7A;
	s5 =	simm.s32 @!p2 $0x0  }
0x1d: {  	s5 =	simm.s32 @p1 $0x1;
	p0 =	seq.s32 s7, s2  }
0x1e: {  	s7 =	smul.u32 @!p0 $0xF7A, s2;
	p2 =	seq.s32 @!p0 s5, $0x0  }
0x1f: {  	s9 =	smul.u32 $0xF7A, s1;
	s8 =	simm.s32 @!p0 $0x1BF5;
	p2 =	por !p2, p0  }
0x20: {  	[sflag:s8] =	ssyncset.s32 @!p0 $0xFFFFF086;
	s6 =	sadd.s32 @!p0 s3, s7;
	s7 =	simm.s32 @!p0 $0x108  }
0x21: {  	s3 =	sadd.s32 s3, s9;
	s6 =	sadd.s32 @!p0 $0x88, s6;
	s7 =	simm.s32 @p2 $0x1082  }
0x22: {  	[simem:s7], [sflag:s8] =	dma.local @!p0 [hbm:s6], $0xF7A  }
0x23: {  	s9 =	sor.u32 $0xD0000000, s2;
	s6 =	simm.s32 $0x108;
	_ =	swait.ge @!p0 [sflag:s8], $0x0  }
0x24: {  	s3 =	sadd.s32 $0x88, s3;
	s6 =	simm.s32 @!p1 $0x1082;
	[sflag:s4] =	ssyncset.s32 $0xFFFFF086  }
0x25: {  	[simem:s6], [sflag:s4] =	dma.local [hbm:s3], $0xF7A  }
0x26: {  	[smem:$0x3F9F] =	sst s1;
	(tag) =	ssettag s2;
	_ =	strace s9  }
0x27: {  	s1 =	sld [smem:$0x3FAF]  }
0x28: {  	s2 =	sld [smem:$0x3FB0]  }
0x29: {  	s4 =	sld [smem:$0x3FB2]  }
0x2a: {  	p0 =	seq.s32 s5, $0x0;
	s5 =	sld [smem:$0x3FB3]  }
0x2b: {  	s6 =	sld [smem:$0x3FB4]  }
0x2c: {  	s7 =	sld [smem:$0x3FB5]  }
0x2d: {  	s3 =	simm.s32 $0x108;
	s8 =	sld [smem:$0x3FB6]  }
0x2e: {  	s3 =	simm.s32 @!p0 $0x1082;
	s9 =	sld [smem:$0x3FB7]  }
0x2f: {  	lr =	sadd.s32 s0, s3;
	s0 =	sld [smem:$0x3FAE]  }
0x30: {  	s3 =	sld [smem:$0x3FB1]  }
0x31: {  	[smem:$0x3FBA] =	sst s10  }
0x32: {  	s10 =	sld [smem:$0x3FB8];
	_ =	sdelay $0x3  }
0x33: {  	p0 =	seq.s32 s10, $0x1;
	s10 =	sld [smem:$0x3FBA];
	_ =	sdelay $0x3  }
0x34: {  	[smem:$0x3FBA] =	sst s10  }
0x35: {  	s10 =	sld [smem:$0x3FB9];
	_ =	sdelay $0x3  }
0x36: {  	p1 =	seq.s32 s10, $0x1;
	s10 =	sld [smem:$0x3FBA];
	_ =	sdelay $0x3  }
0x37: {  	[smem:$0x3FBA] =	sst s10  }
0x38: {  	s10 =	sld [smem:$0x3FBB]  }
0x39: {  	_ = 	snop;
	(pc) =	sbr.ind lr, $3  }
0x3a: {  	_ = 	snop  }
0x3b: {  	_ = 	snop  }
0x3c: {  	p2 =	seq.s32 s10, $0x1;
	s10 =	sld [smem:$0x3FBA]  }
0x3d: {  	_ =	shalt  }
0x3e: {  	_ =	shalt  }
0x3f: {  	_ =	shalt  }
0x40: {  	_ =	shalt  }
0x41: {  	_ =	shalt  }
0x42: {  	_ =	shalt  }
0x43: {  	_ =	shalt  }
0x44: {  	_ =	shalt  }
0x45: {  	_ =	shalt  }
0x46: {  	_ =	shalt  }
0x47: {  	_ =	shalt  }
0x48: {  	_ =	shalt  }
0x49: {  	_ =	shalt  }
0x4a: {  	_ =	shalt  }
0x4b: {  	_ =	shalt  }
0x4c: {  	_ =	shalt  }
0x4d: {  	_ =	shalt  }
0x4e: {  	_ =	shalt  }
0x4f: {  	_ =	shalt  }
0x50: {  	_ =	shalt  }
0x51: {  	_ =	shalt  }
0x52: {  	_ =	shalt  }
0x53: {  	_ =	shalt  }
0x54: {  	_ =	shalt  }
0x55: {  	_ =	shalt  }
0x56: {  	_ =	shalt  }
0x57: {  	_ =	shalt  }
0x58: {  	_ =	shalt  }
0x59: {  	_ =	shalt  }
0x5a: {  	_ =	shalt  }
0x5b: {  	_ =	shalt  }
0x5c: {  	_ =	shalt  }
0x5d: {  	_ =	shalt  }
0x5e: {  	_ =	shalt  }
0x5f: {  	_ =	shalt  }
0x60: {  	_ =	shalt  }
0x61: {  	_ =	shalt  }
0x62: {  	_ =	shalt  }
0x63: {  	_ =	shalt  }
0x64: {  	_ =	shalt  }
0x65: {  	_ =	shalt  }
0x66: {  	_ =	shalt  }
0x67: {  	_ =	shalt  }
0x68: {  	_ =	shalt  }
0x69: {  	_ =	shalt  }
0x6a: {  	_ =	shalt  }
0x6b: {  	_ =	shalt  }
0x6c: {  	_ =	shalt  }
0x6d: {  	_ =	shalt  }
0x6e: {  	_ =	shalt  }
0x6f: {  	_ =	shalt  }
0x70: {  	_ =	shalt  }
0x71: {  	_ =	shalt  }
0x72: {  	_ =	shalt  }
0x73: {  	_ =	shalt  }
0x74: {  	_ =	shalt  }
0x75: {  	_ =	shalt  }
0x76: {  	_ =	shalt  }
0x77: {  	_ =	shalt  }
0x78: {  	_ =	shalt  }
0x79: {  	_ =	shalt  }
0x7a: {  	_ =	shalt  }
0x7b: {  	_ =	shalt  }
0x7c: {  	_ =	shalt  }
0x7d: {  	_ =	shalt  }
0x7e: {  	_ =	shalt  }
0x7f: {  	_ =	shalt  }
0x80: {  	_ =	shalt  }
0x81: {  	_ =	shalt  }
0x82: {  	_ =	shalt  }
0x83: {  	_ =	shalt  }
0x84: {  	_ =	shalt  }
0x85: {  	_ =	shalt  }
0x86: {  	_ =	shalt  }
0x87: {  	_ =	shalt  }
.Lfunc_end0:
.L_simem_size_0:
called_computation_lowered:
.L_overlay_start_0:
0x88: {  	s2 =	sld [smem:$0x3FD9]  }
0x89: {  	s3 =	sld [smem:$0x3FFE];
	_ =	sdelay $0x1  }
0x8a: {  	s1 =	srdreg.scid  }
0x8b: {  	s0 =	sand.u32 $0x1, s1  }
0x8c: {  	s18 =	sshll.u32 s0, $0xA;
	s2 =	sadd.s32 s3, s2  }
0x8d: {  	s2 =	sadd.s32 s2, s18  }
0x8e: {  	[smem:$0x3FC6] =	sst s2  }
0x8f: {  	_ = 	snop  }
0x90: {  	s2 =	sld [smem:$0x3FC9]  }
0x91: {  	s19 =	sld [smem:$0x3FC8]  }
0x92: {  	s4 =	sld [smem:$0x3FD0];
	(tm) =	ssettm $0x1  }
0x93: {  	s5 =	sld [smem:$0x3FFB];
	_ =	sdelay $0x3  }
0x94: {  	_ =	strace s5  }
0x95: {  	s5 =	sld [smem:$0x3FFC];
	_ =	sdelay $0x3  }
0x96: {  	_ =	strace s5  }
0x97: {  	s5 =	sld [smem:$0x3FFD];
	_ =	sdelay $0x3  }
0x98: {  	_ =	strace s5  }
0x99: {  	_ =	strace $0x8FFFFFFF  }
0x9a: {  	s20 =	sld [smem:$0x3FDB];
	_ =	sdelay $0x1  }
0x9b: {  	s6 =	simm.s32 $_scs_section_size  }
0x9c: {  	s7 =	simm.s32 $_size__tile_overlayer_lowered;
	s8 =	simm.s32 $_tile_overlayer_lowered  }
0x9d: {  	s23 =	simm.s32 $0x1BFF;
	s22 =	sshll.u32 s8, $0x1;
	s5 =	sadd.s32 s6, s20  }
0x9e: {  	s9 =	simm.s32 $0x0;
	s21 =	sshll.u32 s7, $0x1;
	s7 =	sadd.s32 s22, s5  }
0x9f: {  	[timem:s9], [sflag:s23] =	dma.local [hbm:s7], s21  }
0xa0: {  	_ =	swait.ge [sflag:s23], s21  }
0xa1: {  	s6 =	ssub.s32 $0x0, s21;
	[sflag:s23] =	ssyncset.done $0x0  }
0xa2: {  	[sflag:s23] =	ssyncadd.s32 s6;
	_ =	sdelay $0x1  }
0xa3: {  	s24 =	simm.s32 $0x1B8B  }
0xa4: {  	_ =	swait.ge [sflag:s24], $0x1  }
0xa5: {  	[sflag:s24] =	ssyncset.done $0x0  }
0xa6: {  	s25 =	simm.s32 $0x1B8E;
	[sflag:s24] =	ssyncadd.s32 $0xFFFFFFFF  }
0xa7: {  	s26 =	simm.s32 $execute0_lowered;
	[smem:$0x3FD2] =	sst s25  }
0xa8: {  	s6 =	sshll.u32 s26, $0x1;
	_ =	strace $0x80000046;
	[dreg:$0x1] =	wrdreg $0xFFFFFFFF  }
0xa9: {  	s28 =	simm.s32 $_size_execute0_lowered;
	s5 =	sadd.s32 s5, s6;
	[dreg:$0x0] =	wrdreg $0x0  }
0xaa: {  	s6 =	sshll.u32 s28, $0x1;
	[dreg:$0x2] =	wrdreg s5  }
0xab: {  	[dreg:$0x3] =	wrdreg s6  }
0xac: {  	[dreg:$0x4] =	wrdreg $0xC0  }
0xad: {  	_ =	task [dreg:s9], $0x5FFFF  }
0xae: {  	[dreg:$0x1] =	wrdreg $0xFFFFFFFF  }
0xaf: {  	[dreg:$0x0] =	wrdreg $0x60  }
0xb0: {  	[dreg:$0x2] =	wrdreg s2  }
0xb1: {  	[dreg:$0x3] =	wrdreg s19  }
0xb2: {  	[dreg:$0x4] =	wrdreg s4  }
0xb3: {  	[dreg:$0x5] =	wrdreg $0x9  }
0xb4: {  	_ =	task.clear_ibuf [dreg:s9], $0x6FFFF;
	_ =	strace $0x90000046  }
0xb5: {  	s29 =	simm.s32 $0x9;
	_ =	strace $0x80000048  }
0xb6: {  	_ =	swait.ge [sflag:s29], $0x1  }
0xb7: {  	[sflag:s29] =	ssyncadd.s32 $0xFFFFFFFF  }
0xb8: {  	_ =	strace $0x90000048  }
0xb9: {  	_ =	sfence  }
0xba: {  	s30 =	sld [smem:$0x0];
	_ =	sdelay $0x2  }
0xbb: {  	s31 =	sshll.u32 s1, $0xD;
	s1 =	sshrl.u32 s1, $0x2  }
0xbc: {  	s3 =	sand.u32 $0x4000, s31;
	s1 =	sadd.s32 s1, s30  }
0xbd: {  	s0 =	sor.u32 s3, s0;
	s1 =	sshll.u32 s1, $0x11  }
0xbe: {  	s0 =	sor.u32 s1, s0  }
0xbf: {  	s0 =	sadd.s32 $0x8F2B, s0  }
0xc0: {  	[sflag:s0] =	ssyncadd.remote.s32 $0x1  }
0xc1: {  	_ =	sfence.sel $0xFFFF  }
0xc2: {  	[dreg:$0x0] =	wrdreg $0xFFFFFFFF;
	(pc) =	sbr.abs _section_cstart, $3  }
0xc3: {  	[dreg:$0x1] =	wrdreg $0xFFFFFFFF  }
0xc4: {  	_ =	task.clear_ibuf [dreg:s9], $0x2FFFF;
	_ =	strace $0x9FFFFFFF  }
0xc5: {  	(tm) =	ssettm $0x7FFFFFFF  }
tec
execute0_lowered:
.L_overlay_start_1:
0x0: {  	(tag) =	ssettag $0x1  }
0x1: {  	s6 =	rddreg [dreg:$0x0]  }
0x2: {  	s3 =	rddreg [dreg:$0x1]  }
0x3: {  	s1 =	srdreg.scid;
	s0 =	stileid.u32  }
0x4: {  	s7 =	rddreg [dreg:$0x2];
	s2 =	simm.s32 $0x0;
	s14 =	simm.s32 $0x14000  }
0x5: {  	s15 =	simm.s32 $0x4;
	s16 =	simm.s32 $0x18000;
	s17 =	simm.s32 $0x3  }
0x6: {  	s4 =	sand.u32 $0x1, s1;
	s5 =	sshll.u32 s0, $0x1;
	s1 =	rddreg [dreg:$0x3]  }
0x7: {  	s18 =	simm.s32 $0x0;
	[smem:$0x7FF] =	sst s2;
	s5 =	sor.u32 s4, s5  }
0x8: {  	p0 =	slt.u32 s0, $0x8;
	s4 =	ssub.s32 $0x2, s4;
	s8 =	sadd.s32 $0xFFFFFFF0, s5  }
0x9: {  	_ =	strace $0x80000047;
	s12 =	sshrl.u32 s4, $0x1;
	s8 =	smov.u32 @p0 s5  }
0xa: {  	s5 =	simm.s32 $0x0;
	s12 =	ssub.s32 s4, s12;
	s9 =	sshrl.u32 s8, $0x3  }
0xb: {  	s5 =	simm.s32 @!p0 $0x2;
	s8 =	sshll.u32 s8, $0x7;
	p0 =	sgt.u32 s0, $0x7  }
0xc: {  	s10 =	sshll.u32 s9, $0x11;
	s8 =	sand.u32 $0x380, s8;
	s9 =	sshll.u32 s9, $0x13  }
0xd: {  	s11 =	sshll.u32 s5, $0x14;
	s5 =	sshll.u32 s5, $0x12;
	s13 =	sor.u32 s8, s10  }
0xe: {  	s11 =	sadd.s32 s11, s9;
	s5 =	sadd.s32 s5, s10;
	s9 =	sor.u32 s8, s9  }
0xf: {  	s10 =	simm.s32 $0x400;
	s28 =	sshrl.u32 s13, $0x3;
	s11 =	sor.u32 s8, s11  }
0x10: {  	s5 =	sor.u32 s8, s5;
	s30 =	sadd.s32 $0x100000, s9;
	s31 =	sadd.s32 $0x40000, s13  }
.Ltmp0:
0x11: {  	s13 =	simm.s32 $0x2;
	s3 =	sadd.s32 s3, s28;
	(pc) =	sbr.rel .LBB2_1-.Ltmp0, $4  }
0x12: {  	s29 =	sshrl.u32 s11, $0x3;
	s5 =	sshrl.u32 s5, $0x3;
	s8 =	sshrl.u32 s30, $0x3  }
0x13: {  	s9 =	sshrl.u32 s31, $0x3;
	s11 =	simm.s32 $0x10000;
	s4 =	sadd.s32 s6, s29  }
0x14: {  	s5 =	sadd.s32 s7, s5;
	s6 =	sadd.s32 s6, s8;
	s7 =	sadd.s32 s7, s9  }
0x15: {  	s8 =	smax.u32 s12, $0x1;
	s9 =	simm.s32 $0x80;
	s12 =	simm.s32 $0x1  }
.LBB2_6:
0x16: {  	_ =	sdelay $0x3  }
0x17: {  	v0 =	vld.idx.msk [tilespmem:v0+s2+$0x0], $0xffff  }
0x18: {  	v1 =	vld.idx.msk [tilespmem:v1+s2+$0x0], $0xffff  }
0x19: {  	v2 =	vld.idx.msk [tilespmem:v2+s2+$0x0], $0xffff  }
0x1a: {  	v3 =	vld.idx.msk [tilespmem:v3+s2+$0x0], $0xffff  }
0x1b: {  	v4 =	vld.idx.msk [tilespmem:v4+s2+$0x0], $0xffff  }
0x1c: {  	v5 =	vld.idx.msk [tilespmem:v5+s2+$0x0], $0xffff  }
0x1d: {  	v7 =	vld.idx.msk [tilespmem:v7+s2+$0x0], $0xffff  }
0x1e: {  	v9 =	vld.idx.msk [tilespmem:v9+s2+$0x0], $0xffff  }
0x1f: {  	v15 =	vld.idx.msk [tilespmem:v15+s2+$0x0], $0xffff  }
0x20: {  	v6 =	vld.idx.msk [tilespmem:v6+s2+$0x0], $0xffff  }
0x21: {  	v8 =	vld.idx.msk [tilespmem:v8+s2+$0x0], $0xffff  }
0x22: {  	v10 =	vld.idx.msk [tilespmem:v10+s2+$0x0], $0xffff  }
0x23: {  	v11 =	vld.idx.msk [tilespmem:v11+s2+$0x0], $0xffff  }
0x24: {  	v12 =	vld.idx.msk [tilespmem:v12+s2+$0x0], $0xffff  }
0x25: {  	v13 =	vld.idx.msk [tilespmem:v13+s2+$0x0], $0xffff;
	[tilespmem:s19+$0x18000] =	vst v14  }
0x26: {  	[tilespmem:s19+$0x180F0] =	vst v15  }
0x27: {  	[tilespmem:s19+$0x18010] =	vst v0  }
0x28: {  	[tilespmem:s19+$0x18020] =	vst v1  }
0x29: {  	[tilespmem:s19+$0x18030] =	vst v2  }
0x2a: {  	[tilespmem:s19+$0x18040] =	vst v3  }
0x2b: {  	[tilespmem:s19+$0x18050] =	vst v4  }
0x2c: {  	[tilespmem:s19+$0x18060] =	vst v5  }
0x2d: {  	[tilespmem:s19+$0x18070] =	vst v7  }
0x2e: {  	[tilespmem:s19+$0x18080] =	vst v9  }
0x2f: {  	[tilespmem:s19+$0x18090] =	vst v6  }
0x30: {  	[tilespmem:s19+$0x180A0] =	vst v8  }
0x31: {  	[tilespmem:s19+$0x180B0] =	vst v10  }
0x32: {  	[tilespmem:s19+$0x180C0] =	vst v11  }
0x33: {  	[tilespmem:s19+$0x180D0] =	vst v12  }
0x34: {  	[tilespmem:s19+$0x180E0] =	vst v13  }
0x35: {  	[hbm4b:s7+s9] =	stream.strided.scatter [tilespmem:s16], [sflag:$0x4], $0x4000, s10, s9, $0x38;
	[tilespmem:$0x1C000] =	vst v63  }
0x36: {  	_ =	swait.ge [sflag:s15], $0x4000  }
0x37: {  	[sflag:s15] =	ssyncset.done $0x0  }
0x38: {  	[sflag:s15] =	ssyncadd.s32 $0xFFFFC000  }
.LBB2_7:
0x39: {  	s18 =	sadd.s32 $0x1, s18  }
0x3a: {  	p1 =	sne.s32 s18, s8  }
.Ltmp1:
0x3b: {  	_ = 	snop;
	(pc) =	sbr.rel @!p1 .LBB2_8-.Ltmp1, $4  }
0x3c: {  	_ = 	snop  }
0x3d: {  	_ =	swait.ge [sflag:s17], $0x4000  }
0x3e: {  	[sflag:s17] =	ssyncset.done $0x0  }
0x3f: {  	[sflag:s17] =	ssyncadd.s32 $0xFFFFC000  }
.LBB2_1:
0x40: {  	[tilespmem:s11], [sflag:$0x1] =	stream.strided.gather [hbm4b:s3+s9], $0x4000, s10, s9, $0x38;
	[tilespmem:$0x1C000] =	vst v63  }
0x41: {  	_ = 	snop  }
0x42: {  	[tilespmem:s2], [sflag:$0x2] =	stream.strided.gather [hbm4b:s4+s9], $0x10000, s10, s9, $0x38;
	[tilespmem:$0x1C000] =	vst v63  }
0x43: {  	_ =	swait.ge [sflag:s12], $0x4000  }
0x44: {  	[sflag:s12] =	ssyncset.done $0x0  }
0x45: {  	[sflag:s12] =	ssyncadd.s32 $0xFFFFC000  }
0x46: {  	_ =	swait.ge [sflag:s13], $0x10000  }
0x47: {  	[sflag:s13] =	ssyncset.done $0x0  }
0x48: {  	s19 =	simm.s32 $0x0;
	[sflag:s13] =	ssyncadd.s32 $0xFFFF0000  }
0x49: {  	v14 =	vld [tilespmem:s19+$0x10000]  }
0x4a: {  	v0 =	vld [tilespmem:s19+$0x10010]  }
0x4b: {  	v1 =	vld [tilespmem:s19+$0x10020]  }
0x4c: {  	v2 =	vld [tilespmem:s19+$0x10030]  }
0x4d: {  	v3 =	vld [tilespmem:s19+$0x10040]  }
0x4e: {  	v4 =	vld [tilespmem:s19+$0x10050]  }
0x4f: {  	v5 =	vld [tilespmem:s19+$0x10060]  }
0x50: {  	v7 =	vld [tilespmem:s19+$0x10070]  }
0x51: {  	v9 =	vld [tilespmem:s19+$0x10080]  }
0x52: {  	v6 =	vld [tilespmem:s19+$0x10090]  }
0x53: {  	v8 =	vld [tilespmem:s19+$0x100A0]  }
0x54: {  	v10 =	vld [tilespmem:s19+$0x100B0]  }
0x55: {  	v11 =	vld [tilespmem:s19+$0x100C0]  }
0x56: {  	v12 =	vld [tilespmem:s19+$0x100D0]  }
0x57: {  	v13 =	vld [tilespmem:s19+$0x100E0]  }
0x58: {  	v15 =	vld [tilespmem:s19+$0x100F0]  }
0x59: {  	s20 =	simm.s32 $0x400;
	v14 =	vld.idx.msk [tilespmem:v14+s2+$0x0], $0xffff  }
.LBB2_2:
0x5a: {  	p1 =	sne.s32 s20, $0xFC00;
	v16 =	vld.idx.msk [tilespmem:v0+s2+$0x0], $0xffff  }
0x5b: {  	v17 =	vld.idx.msk [tilespmem:v1+s2+$0x0], $0xffff  }
0x5c: {  	v18 =	vld.idx.msk [tilespmem:v2+s2+$0x0], $0xffff  }
0x5d: {  	v19 =	vld.idx.msk [tilespmem:v3+s2+$0x0], $0xffff  }
0x5e: {  	v20 =	vld.idx.msk [tilespmem:v4+s2+$0x0], $0xffff  }
0x5f: {  	v21 =	vld.idx.msk [tilespmem:v5+s2+$0x0], $0xffff  }
0x60: {  	v22 =	vld.idx.msk [tilespmem:v7+s2+$0x0], $0xffff  }
0x61: {  	v23 =	vld.idx.msk [tilespmem:v9+s2+$0x0], $0xffff  }
0x62: {  	v0 =	vld.idx.msk [tilespmem:v15+s2+$0x0], $0xffff  }
0x63: {  	v15 =	vld.idx.msk [tilespmem:v6+s2+$0x0], $0xffff  }
0x64: {  	v24 =	vld.idx.msk [tilespmem:v8+s2+$0x0], $0xffff  }
0x65: {  	v25 =	vld.idx.msk [tilespmem:v10+s2+$0x0], $0xffff  }
0x66: {  	v26 =	vld.idx.msk [tilespmem:v11+s2+$0x0], $0xffff  }
0x67: {  	v27 =	vld.idx.msk [tilespmem:v12+s2+$0x0], $0xffff  }
0x68: {  	s21 =	sshra.s32 s20, $0x2;
	v28 =	vld.idx.msk [tilespmem:v13+s2+$0x0], $0xffff;
	[tilespmem:s19+$0x140F0] =	vst v0  }
0x69: {  	v29 =	vld [tilespmem:s21+$0x10000];
	[tilespmem:s19+$0x14000] =	vst v14  }
0x6a: {  	v0 =	vld [tilespmem:s21+$0x10010];
	[tilespmem:s19+$0x14010] =	vst v16  }
0x6b: {  	v1 =	vld [tilespmem:s21+$0x10020];
	[tilespmem:s19+$0x14020] =	vst v17  }
0x6c: {  	v2 =	vld [tilespmem:s21+$0x10030];
	[tilespmem:s19+$0x14030] =	vst v18  }
0x6d: {  	v3 =	vld [tilespmem:s21+$0x10040];
	[tilespmem:s19+$0x14040] =	vst v19  }
0x6e: {  	v4 =	vld [tilespmem:s21+$0x10050];
	[tilespmem:s19+$0x14050] =	vst v20  }
0x6f: {  	v5 =	vld [tilespmem:s21+$0x10060];
	[tilespmem:s19+$0x14060] =	vst v21  }
0x70: {  	v7 =	vld [tilespmem:s21+$0x10070];
	[tilespmem:s19+$0x14070] =	vst v22  }
0x71: {  	v9 =	vld [tilespmem:s21+$0x10080];
	[tilespmem:s19+$0x14080] =	vst v23  }
0x72: {  	v6 =	vld [tilespmem:s21+$0x10090];
	[tilespmem:s19+$0x14090] =	vst v15  }
0x73: {  	v8 =	vld [tilespmem:s21+$0x100A0];
	[tilespmem:s19+$0x140A0] =	vst v24  }
0x74: {  	v10 =	vld [tilespmem:s21+$0x100B0];
	[tilespmem:s19+$0x140B0] =	vst v25  }
.Ltmp2:
0x75: {  	v11 =	vld [tilespmem:s21+$0x100C0];
	[tilespmem:s19+$0x140C0] =	vst v26;
	(pc) =	sbr.rel @p1 .LBB2_2-.Ltmp2, $4  }
0x76: {  	v12 =	vld [tilespmem:s21+$0x100D0];
	[tilespmem:s19+$0x140D0] =	vst v27  }
0x77: {  	v13 =	vld [tilespmem:s21+$0x100E0];
	[tilespmem:s19+$0x140E0] =	vst v28;
	s19 =	smov.u32 s21  }
0x78: {  	v15 =	vld [tilespmem:s19+$0x100F0]  }
0x79: {  	s20 =	sadd.s32 $0x400, s20;
	v14 =	vld.idx.msk [tilespmem:v29+s2+$0x0], $0xffff  }
0x7a: {  	_ =	sdelay $0x3  }
0x7b: {  	v0 =	vld.idx.msk [tilespmem:v0+s2+$0x0], $0xffff  }
0x7c: {  	v1 =	vld.idx.msk [tilespmem:v1+s2+$0x0], $0xffff  }
0x7d: {  	v2 =	vld.idx.msk [tilespmem:v2+s2+$0x0], $0xffff  }
0x7e: {  	v3 =	vld.idx.msk [tilespmem:v3+s2+$0x0], $0xffff  }
0x7f: {  	v4 =	vld.idx.msk [tilespmem:v4+s2+$0x0], $0xffff  }
0x80: {  	v5 =	vld.idx.msk [tilespmem:v5+s2+$0x0], $0xffff  }
0x81: {  	v7 =	vld.idx.msk [tilespmem:v7+s2+$0x0], $0xffff  }
0x82: {  	v9 =	vld.idx.msk [tilespmem:v9+s2+$0x0], $0xffff  }
0x83: {  	v6 =	vld.idx.msk [tilespmem:v6+s2+$0x0], $0xffff  }
0x84: {  	v8 =	vld.idx.msk [tilespmem:v8+s2+$0x0], $0xffff  }
0x85: {  	v10 =	vld.idx.msk [tilespmem:v10+s2+$0x0], $0xffff  }
0x86: {  	v11 =	vld.idx.msk [tilespmem:v11+s2+$0x0], $0xffff  }
0x87: {  	v12 =	vld.idx.msk [tilespmem:v12+s2+$0x0], $0xffff  }
0x88: {  	v13 =	vld.idx.msk [tilespmem:v13+s2+$0x0], $0xffff  }
0x89: {  	v15 =	vld.idx.msk [tilespmem:v15+s2+$0x0], $0xffff;
	[tilespmem:s19+$0x14000] =	vst v14  }
0x8a: {  	[tilespmem:s19+$0x14010] =	vst v0  }
0x8b: {  	[tilespmem:s19+$0x14020] =	vst v1  }
0x8c: {  	[tilespmem:s19+$0x14030] =	vst v2  }
0x8d: {  	[tilespmem:s19+$0x14040] =	vst v3  }
0x8e: {  	[tilespmem:s19+$0x14050] =	vst v4  }
0x8f: {  	[tilespmem:s19+$0x14060] =	vst v5  }
0x90: {  	[tilespmem:s19+$0x14070] =	vst v7  }
0x91: {  	[tilespmem:s19+$0x14080] =	vst v9  }
0x92: {  	[tilespmem:s19+$0x14090] =	vst v6  }
0x93: {  	[tilespmem:s19+$0x140A0] =	vst v8  }
0x94: {  	[tilespmem:s19+$0x140B0] =	vst v10  }
.Ltmp3:
0x95: {  	[tilespmem:s19+$0x140C0] =	vst v11;
	(pc) =	sbr.rel @p0 .LBB2_7-.Ltmp3, $4  }
0x96: {  	[tilespmem:s19+$0x140D0] =	vst v12  }
0x97: {  	[tilespmem:s19+$0x140E0] =	vst v13  }
0x98: {  	[tilespmem:s19+$0x140F0] =	vst v15  }
0x99: {  	[hbm4b:s5+s9] =	stream.strided.scatter [tilespmem:s14], [sflag:$0x3], $0x4000, s10, s9, $0x38;
	[tilespmem:$0x1C000] =	vst v63  }
0x9a: {  	s19 =	simm.s32 $0x0  }
0x9b: {  	[tilespmem:s19], [sflag:$0x4] =	stream.strided.gather [hbm4b:s6+s9], $0x10000, s10, s9, $0x38;
	[tilespmem:$0x1C000] =	vst v63  }
0x9c: {  	_ =	swait.ge [sflag:s15], $0x10000  }
0x9d: {  	[sflag:s15] =	ssyncset.done $0x0  }
0x9e: {  	s19 =	simm.s32 $0x0;
	[sflag:s15] =	ssyncadd.s32 $0xFFFF0000  }
0x9f: {  	v14 =	vld [tilespmem:s19+$0x10000]  }
0xa0: {  	v0 =	vld [tilespmem:s19+$0x10010]  }
0xa1: {  	v1 =	vld [tilespmem:s19+$0x10020]  }
0xa2: {  	v2 =	vld [tilespmem:s19+$0x10030]  }
0xa3: {  	v3 =	vld [tilespmem:s19+$0x10040]  }
0xa4: {  	v4 =	vld [tilespmem:s19+$0x10050]  }
0xa5: {  	v5 =	vld [tilespmem:s19+$0x10060]  }
0xa6: {  	v7 =	vld [tilespmem:s19+$0x10070]  }
0xa7: {  	v9 =	vld [tilespmem:s19+$0x10080]  }
0xa8: {  	v6 =	vld [tilespmem:s19+$0x10090]  }
0xa9: {  	v8 =	vld [tilespmem:s19+$0x100A0]  }
0xaa: {  	v10 =	vld [tilespmem:s19+$0x100B0]  }
0xab: {  	v11 =	vld [tilespmem:s19+$0x100C0]  }
0xac: {  	v12 =	vld [tilespmem:s19+$0x100D0]  }
0xad: {  	v13 =	vld [tilespmem:s19+$0x100E0]  }
0xae: {  	v15 =	vld [tilespmem:s19+$0x100F0]  }
0xaf: {  	s20 =	simm.s32 $0x400;
	v14 =	vld.idx.msk [tilespmem:v14+s2+$0x0], $0xffff  }
.LBB2_5:
0xb0: {  	p1 =	sne.s32 s20, $0xFC00;
	v16 =	vld.idx.msk [tilespmem:v0+s2+$0x0], $0xffff  }
0xb1: {  	v17 =	vld.idx.msk [tilespmem:v1+s2+$0x0], $0xffff  }
0xb2: {  	v18 =	vld.idx.msk [tilespmem:v2+s2+$0x0], $0xffff  }
0xb3: {  	v19 =	vld.idx.msk [tilespmem:v3+s2+$0x0], $0xffff  }
0xb4: {  	v20 =	vld.idx.msk [tilespmem:v4+s2+$0x0], $0xffff  }
0xb5: {  	v21 =	vld.idx.msk [tilespmem:v5+s2+$0x0], $0xffff  }
0xb6: {  	v22 =	vld.idx.msk [tilespmem:v7+s2+$0x0], $0xffff  }
0xb7: {  	v23 =	vld.idx.msk [tilespmem:v9+s2+$0x0], $0xffff  }
0xb8: {  	v0 =	vld.idx.msk [tilespmem:v15+s2+$0x0], $0xffff  }
0xb9: {  	v15 =	vld.idx.msk [tilespmem:v6+s2+$0x0], $0xffff  }
0xba: {  	v24 =	vld.idx.msk [tilespmem:v8+s2+$0x0], $0xffff  }
0xbb: {  	v25 =	vld.idx.msk [tilespmem:v10+s2+$0x0], $0xffff  }
0xbc: {  	v26 =	vld.idx.msk [tilespmem:v11+s2+$0x0], $0xffff  }
0xbd: {  	v27 =	vld.idx.msk [tilespmem:v12+s2+$0x0], $0xffff  }
0xbe: {  	s21 =	sshra.s32 s20, $0x2;
	v28 =	vld.idx.msk [tilespmem:v13+s2+$0x0], $0xffff;
	[tilespmem:s19+$0x180F0] =	vst v0  }
0xbf: {  	v29 =	vld [tilespmem:s21+$0x10000];
	[tilespmem:s19+$0x18000] =	vst v14  }
0xc0: {  	v0 =	vld [tilespmem:s21+$0x10010];
	[tilespmem:s19+$0x18010] =	vst v16  }
0xc1: {  	v1 =	vld [tilespmem:s21+$0x10020];
	[tilespmem:s19+$0x18020] =	vst v17  }
0xc2: {  	v2 =	vld [tilespmem:s21+$0x10030];
	[tilespmem:s19+$0x18030] =	vst v18  }
0xc3: {  	v3 =	vld [tilespmem:s21+$0x10040];
	[tilespmem:s19+$0x18040] =	vst v19  }
0xc4: {  	v4 =	vld [tilespmem:s21+$0x10050];
	[tilespmem:s19+$0x18050] =	vst v20  }
0xc5: {  	v5 =	vld [tilespmem:s21+$0x10060];
	[tilespmem:s19+$0x18060] =	vst v21  }
0xc6: {  	v7 =	vld [tilespmem:s21+$0x10070];
	[tilespmem:s19+$0x18070] =	vst v22  }
0xc7: {  	v9 =	vld [tilespmem:s21+$0x10080];
	[tilespmem:s19+$0x18080] =	vst v23  }
0xc8: {  	v6 =	vld [tilespmem:s21+$0x10090];
	[tilespmem:s19+$0x18090] =	vst v15  }
0xc9: {  	v8 =	vld [tilespmem:s21+$0x100A0];
	[tilespmem:s19+$0x180A0] =	vst v24  }
0xca: {  	v10 =	vld [tilespmem:s21+$0x100B0];
	[tilespmem:s19+$0x180B0] =	vst v25  }
.Ltmp4:
0xcb: {  	v11 =	vld [tilespmem:s21+$0x100C0];
	[tilespmem:s19+$0x180C0] =	vst v26;
	(pc) =	sbr.rel @p1 .LBB2_5-.Ltmp4, $4  }
0xcc: {  	v12 =	vld [tilespmem:s21+$0x100D0];
	[tilespmem:s19+$0x180D0] =	vst v27  }
0xcd: {  	v13 =	vld [tilespmem:s21+$0x100E0];
	[tilespmem:s19+$0x180E0] =	vst v28;
	s19 =	smov.u32 s21  }
0xce: {  	v15 =	vld [tilespmem:s19+$0x100F0]  }
0xcf: {  	s20 =	sadd.s32 $0x400, s20;
	v14 =	vld.idx.msk [tilespmem:v29+s2+$0x0], $0xffff  }
.Ltmp5:
0xd0: {  	_ = 	snop;
	(pc) =	sbr.rel .LBB2_6-.Ltmp5, $1  }
0xd1: {  	_ =	sdelay $0x3  }
.LBB2_8:
0xd2: {  	_ =	sfence.sel $0x180000  }
0xd3: {  	[bflag:$0x0] =	sbarrier.arrive $0xFFFF  }
0xd4: {  	p0 =	sne.s32 s0, $0x0;
	_ =	strace $0x90000047  }
0xd5: {  	s0 =	sadd.s32 @!p0 $0x100000, s1;
	[bflag:$0x2] =	sbarrier.arrive $0xFFFF  }
0xd6: {  	[sflag:s0] =	ssyncadd.tile.s32 @!p0 $0x1;
	_ =	shalt  }
.Lfunc_end2:
_tile_overlayer_lowered:
.L_overlay_start_2:
0xd7: {  	(tag) =	ssettag $0x2  }
0xd8: {  	s0 =	rddreg [dreg:$0x0];
	s2 =	stileid.u32  }
0xd9: {  	s1 =	rddreg [dreg:$0x1];
	p0 =	sne.s32 s2, $0x0  }
0xda: {  	s3 =	rddreg [dreg:$0x2];
	[bflag:$0x3] =	sbarrier.arrive $0xFFFF;
	s2 =	simm.s32 @!p0 $0x1C04  }
0xdb: {  	[timem:s3], [sflag:s2] =	dma.local @!p0 [hbm:s0], s1  }
0xdc: {  	s0 =	simm.s32 @!p0 $0x4  }
0xdd: {  	_ =	swait.ge @!p0 [sflag:s0], s1  }
0xde: {  	s1 =	ssub.s32 @!p0 $0x0, s1;
	[sflag:s0] =	ssyncset.done @!p0 $0x0  }
0xdf: {  	[sflag:s0] =	ssyncadd.s32 @!p0 s1  }
0xe0: {  	[bflag:$0x3] =	sbarrier.arrive $0xFFFF  }
0xe1: {  	_ =	shalt  }

</sc_bundles>
